<compile_context>
chip_gen: v7x
topology: tpu7x:2x2x1
jax: 0.10.2.dev20260603
libtpu: 0.0.44.dev20260713+nightly
codegen_flags: <defaults>
</compile_context>

<pallas_src>
import functools

import jax
import jax.numpy as jnp
from jax import lax
from jax.experimental import pallas as pl
from jax.experimental.pallas import tpu as pltpu
from jax.experimental.pallas import tpu_sc as plsc

TOPK = 16
BQ = 512
BK = 2048
NEG = -3.0e38
BIGIDX = 2.0e30
PADVAL = 1.0e4

SC_NC = 2
SC_NS = 16
SC_NW = SC_NC * SC_NS
SC_CHUNK = 512


def _topk_body(nkb, q_ref, k_ref, vals_ref, idx_ref, bv, bi):
    j = pl.program_id(1)

    @pl.when(j == 0)
    def _init():
        bv[...] = jnp.full((BQ, TOPK), NEG, jnp.float32)
        bi[...] = jnp.zeros((BQ, TOPK), jnp.float32)

    q = q_ref[...]
    kt = k_ref[...]
    cross = lax.dot_general(q, kt, (((1,), (1,)), ((), ())),
                            preferred_element_type=jnp.float32)
    qsq = jnp.sum(q * q, axis=1, keepdims=True)
    ksq = jnp.sum(kt * kt, axis=1)[None, :]
    s = -(qsq - 2.0 * cross + ksq)
    ai = lax.broadcasted_iota(jnp.int32, (BQ, BK), 1).astype(jnp.float32)
    jbase = (j * BK).astype(jnp.float32)
    i16 = lax.broadcasted_iota(jnp.int32, (BQ, TOPK), 1).astype(jnp.float32)

    def _cond(carry):
        s_c, mm, b15, bv_c, bi_c = carry
        return jnp.any(mm > b15)

    def _round(carry):
        s_c, mm, b15, bv_c, bi_c = carry
        cand = jnp.where(s_c == mm, ai, BIGIDX)
        am = jnp.min(cand, axis=1, keepdims=True)
        s_c = jnp.where(ai == am, NEG, s_c)
        am = am + jbase
        qual = mm > b15
        pos = jnp.sum(jnp.where(bv_c >= mm, 1.0, 0.0), axis=1, keepdims=True)
        pos = jnp.where(qual, pos, float(TOPK))
        sh_v = jnp.concatenate([mm, bv_c[:, :TOPK - 1]], axis=1)
        sh_i = jnp.concatenate([am, bi_c[:, :TOPK - 1]], axis=1)
        bv_c = jnp.where(i16 < pos, bv_c,
                         jnp.where(i16 == pos, mm, sh_v))
        bi_c = jnp.where(i16 < pos, bi_c,
                         jnp.where(i16 == pos, am, sh_i))
        mm = jnp.max(s_c, axis=1, keepdims=True)
        return s_c, mm, bv_c[:, TOPK - 1:], bv_c, bi_c

    mm0 = jnp.max(s, axis=1, keepdims=True)
    carry = (s, mm0, bv[:, TOPK - 1:], bv[...], bi[...])
    _, _, _, bv_n, bi_n = lax.while_loop(_cond, _round, carry)
    bv[...] = bv_n
    bi[...] = bi_n

    @pl.when(j == nkb - 1)
    def _out():
        vals_ref[...] = bv[...]
        idx_ref[...] = bi[...].astype(jnp.int32)


def _topk_scores(queries, keys_padded, nkb):
    qn = queries.shape[0]
    return pl.pallas_call(
        functools.partial(_topk_body, nkb),
        grid=(qn // BQ, nkb),
        in_specs=[
            pl.BlockSpec((BQ, queries.shape[1]), lambda i, j: (i, 0)),
            pl.BlockSpec((BK, queries.shape[1]), lambda i, j: (j, 0)),
        ],
        out_specs=[
            pl.BlockSpec((BQ, TOPK), lambda i, j: (i, 0)),
            pl.BlockSpec((BQ, TOPK), lambda i, j: (i, 0)),
        ],
        out_shape=[
            jax.ShapeDtypeStruct((qn, TOPK), jnp.float32),
            jax.ShapeDtypeStruct((qn, TOPK), jnp.int32),
        ],
        scratch_shapes=[
            pltpu.VMEM((BQ, TOPK), jnp.float32),
            pltpu.VMEM((BQ, TOPK), jnp.float32),
        ],
    )(queries, keys_padded)


def _sc_merge_body(d, b_per_w, keys_hbm, idx_hbm, q_hbm, out_hbm,
                   idx_v, rows_v, q_v, sem):
    wid = lax.axis_index("s") * SC_NC + lax.axis_index("c")
    nsteps = b_per_w // SC_CHUNK
    qc = SC_CHUNK // TOPK

    for cc in range(nsteps):
        base = wid * b_per_w + cc * SC_CHUNK
        pltpu.sync_copy(idx_hbm.at[pl.ds(base, SC_CHUNK)], idx_v)
        pltpu.async_copy(keys_hbm.at[idx_v], rows_v, sem).wait()
        pltpu.sync_copy(q_hbm.at[pl.ds(wid * (b_per_w // TOPK) + cc * qc, qc)],
                        q_v)

        def _row(i, carry):
            qrow = i // TOPK
            for c4 in range(d // 16):
                g = rows_v[i, pl.ds(c4 * 16, 16)]
                qv16 = q_v[qrow, pl.ds(c4 * 16, 16)]
                rows_v[i, pl.ds(c4 * 16, 16)] = (g + qv16) * 0.5
            return carry

        lax.fori_loop(0, SC_CHUNK, _row, 0)
        pltpu.sync_copy(rows_v, out_hbm.at[pl.ds(base, SC_CHUNK)])


def _sc_merge(keys_wide, idx_flat, queries_wide, d):
    b = idx_flat.shape[0]
    b_per_w = b // SC_NW
    mesh = plsc.VectorSubcoreMesh(core_axis_name="c", subcore_axis_name="s")
    fn = functools.partial(
        pl.kernel,
        mesh=mesh,
        out_type=jax.ShapeDtypeStruct((b, 128), jnp.float32),
        scratch_types=[
            pltpu.VMEM((SC_CHUNK,), jnp.int32),
            pltpu.VMEM((SC_CHUNK, 128), jnp.float32),
            pltpu.VMEM((SC_CHUNK // TOPK, 128), jnp.float32),
            pltpu.SemaphoreType.DMA,
        ],
    )(functools.partial(_sc_merge_body, d, b_per_w))
    return fn(keys_wide, idx_flat, queries_wide)


def kernel(queries, keys, k):
    qn, d = queries.shape
    kn = keys.shape[0]
    nkb = (kn + BK - 1) // BK
    kpad = nkb * BK
    keys_padded = jnp.pad(keys, ((0, kpad - kn), (0, 0)),
                          constant_values=PADVAL)

    vals, idx = _topk_scores(queries, keys_padded, nkb)
    keys_wide = jnp.pad(keys, ((0, 0), (0, 128 - d)))
    queries_wide = jnp.pad(queries, ((0, 0), (0, 128 - d)))
    merged_flat = _sc_merge(keys_wide, idx.reshape(-1), queries_wide, d)
    merged = merged_flat[:, :d].reshape(qn, TOPK, d)

    shift = (jnp.asarray(k) - TOPK).astype(jnp.float32)
    return vals + shift, idx, merged

# --- scband reference (transcript-rebuilt; emitter-appended) ---
"""Pipeline reference for scband-string-finder-69741678953239 (READ-ONLY COPY).

The authoritative reference and input builder live on the scoring server;
editing this copy changes nothing except your own understanding.
"""

import jax, jax.numpy as jnp
import numpy as np


def setup_inputs(seed: int = 0) -> dict:
    key = jax.random.key(seed)
    k1, k2 = jax.random.split(key)
    queries = jax.random.normal(k1, (4096, 64), dtype=jnp.float32)
    keys = jax.random.normal(k2, (100000, 64), dtype=jnp.float32)
    return {"queries": queries, "keys": keys, "k": 16}


def reference(queries, keys, k):
    # Core retrieval pattern of String_Finder's fixed-radius nearest-neighbor
    # search (frnn_ts_kernel): for each query point find its nearest keys by
    # Euclidean distance. Implemented as exact kNN: score = -||q - k||^2.
    q_sq = jnp.sum(queries * queries, axis=1, keepdims=True)          # [Q, 1]
    k_sq = jnp.sum(keys * keys, axis=1)[None, :]                      # [1, K]
    cross = queries @ keys.T                                          # [Q, K]
    scores = -(q_sq - 2.0 * cross + k_sq)                             # neg sq dist
    k_static = 16
    scores = scores + (jnp.asarray(k) - k_static).astype(scores.dtype)
    vals, idx = jax.lax.top_k(scores, k_static)                       # [Q, k] each
    # Emulate the pairwise feature aggregation done on matched neighbors
    # (norms_lf.add(norms_rt).div(2)): average the query with its neighbors.
    nbr_feats = jnp.take(keys, idx, axis=0)                           # [Q, k, d]
    merged = (queries[:, None, :] + nbr_feats) * 0.5                  # [Q, k, d]
    return vals, idx, merged

if __name__ == "__main__":
    import jax
    _d = setup_inputs()
    print(jax.jit(kernel)(*tuple(_d.values())))

</pallas_src>

<mosaic_0001>
#map = affine_map<(d0, d1) -> (0, 0)>
#map1 = affine_map<(d0, d1) -> (0)>
module attributes {stable_mosaic.version = 14 : i64} {
  func.func @_sc_merge_body(%arg0: i32, %arg1: i32, %arg2: memref<100000x128xf32, #tpu.memory_space<hbm>>, %arg3: memref<65536xi32, #tpu.memory_space<hbm>>, %arg4: memref<4096x128xf32, #tpu.memory_space<hbm>>, %arg5: memref<65536x128xf32, #tpu.memory_space<hbm>>, %arg6: memref<512xi32, #tpu.memory_space<vmem>>, %arg7: memref<512x128xf32, #tpu.memory_space<vmem>>, %arg8: memref<32x128xf32, #tpu.memory_space<vmem>>, %arg9: memref<!tpu.dma_semaphore, #tpu.memory_space<semaphore_mem>>) attributes {dimension_semantics = [#tpu.dimension_semantics<core_parallel>, #tpu.dimension_semantics<subcore_parallel>], iteration_bounds = array<i64: 2, 16>, scalar_prefetch = 0 : i64, scratch_operands = 4 : i64, tpu.core_type = #tpu.core_type<sc_vector_subcore>, window_params = [{transform_indices = #map}, {transform_indices = #map1}, {transform_indices = #map}, {transform_indices = #map}]} {
    %mul3A = arith.constant 2 : i32
    %mul3A_0 = arith.muli %arg1, %mul3A : i32
    %add3A = arith.addi %mul3A_0, %arg0 : i32
    %mul3A_1 = arith.constant 2048 : i32
    %mul3A_2 = arith.muli %add3A, %mul3A_1 : i32
    %add3A_3 = arith.constant 0 : i32
    %add3A_4 = arith.addi %mul3A_2, %add3A_3 : i32
    "tpu.region"() ({
      %run_scoped3A = tpu.sem_alloc : memref<!tpu.dma_semaphore, #tpu.memory_space<semaphore_mem>>
      %dma_start3A_78 = tpu.memref_slice %arg3[%add3A_4] : memref<65536xi32, #tpu.memory_space<hbm>> -> memref<512xi32, #tpu.memory_space<hbm>>
      %dma_start3A_79 = tpu.memref_slice %arg3[%add3A_4] : memref<65536xi32, #tpu.memory_space<hbm>> -> memref<512xi32, #tpu.memory_space<hbm>>
      tpu.enqueue_dma source(%dma_start3A_79 : memref<512xi32, #tpu.memory_space<hbm>>) target(%arg6 : memref<512xi32, #tpu.memory_space<vmem>>) target_semaphore(%run_scoped3A : memref<!tpu.dma_semaphore, #tpu.memory_space<semaphore_mem>>)
      %dma_wait3A_80 = tpu.memref_slice %arg3[%add3A_4] : memref<65536xi32, #tpu.memory_space<hbm>> -> memref<512xi32, #tpu.memory_space<hbm>>
      %dma_wait3A_81 = tpu.memref_slice %arg3[%add3A_4] : memref<65536xi32, #tpu.memory_space<hbm>> -> memref<512xi32, #tpu.memory_space<hbm>>
      tpu.wait_dma2 semaphore(%run_scoped3A : memref<!tpu.dma_semaphore, #tpu.memory_space<semaphore_mem>>) src(%dma_wait3A_81 : memref<512xi32, #tpu.memory_space<hbm>>) dst(%arg6 : memref<512xi32, #tpu.memory_space<vmem>>)
      tpu.yield
    }) : () -> ()
    %dma_start3A = arith.constant 0 : i32
    %dma_start3A_5 = arith.constant 0 : i32
    %dma_start3A_6 = tpu.memref_slice %arg2[%dma_start3A, %dma_start3A_5] : memref<100000x128xf32, #tpu.memory_space<hbm>> -> memref<100000x128xf32, #tpu.memory_space<hbm>>
    tpu.enqueue_indirect_dma source(%dma_start3A_6 : memref<100000x128xf32, #tpu.memory_space<hbm>>) target(%arg7 : memref<512x128xf32, #tpu.memory_space<vmem>>) offsets(%arg6 : memref<512xi32, #tpu.memory_space<vmem>>) semaphore(%arg9 : memref<!tpu.dma_semaphore, #tpu.memory_space<semaphore_mem>>)
    %dma_wait3A = arith.constant 0 : i32
    %dma_wait3A_7 = arith.constant 0 : i32
    %dma_wait3A_8 = tpu.memref_slice %arg2[%dma_wait3A, %dma_wait3A_7] : memref<100000x128xf32, #tpu.memory_space<hbm>> -> memref<100000x128xf32, #tpu.memory_space<hbm>>
    tpu.wait_indirect_dma semaphore(%arg9 : memref<!tpu.dma_semaphore, #tpu.memory_space<semaphore_mem>>) src(%dma_wait3A_8 : memref<100000x128xf32, #tpu.memory_space<hbm>>) dst(%arg7 : memref<512x128xf32, #tpu.memory_space<vmem>>)
    %mul3A_9 = arith.constant 128 : i32
    %mul3A_10 = arith.muli %add3A, %mul3A_9 : i32
    %add3A_11 = arith.constant 0 : i32
    %add3A_12 = arith.addi %mul3A_10, %add3A_11 : i32
    "tpu.region"() ({
      %run_scoped3A = tpu.sem_alloc : memref<!tpu.dma_semaphore, #tpu.memory_space<semaphore_mem>>
      %dma_start3A_78 = arith.constant 0 : i32
      %dma_start3A_79 = tpu.memref_slice %arg4[%add3A_12, %dma_start3A_78] : memref<4096x128xf32, #tpu.memory_space<hbm>> -> memref<32x128xf32, #tpu.memory_space<hbm>>
      %dma_start3A_80 = arith.constant 0 : i32
      %dma_start3A_81 = tpu.memref_slice %arg4[%add3A_12, %dma_start3A_80] : memref<4096x128xf32, #tpu.memory_space<hbm>> -> memref<32x128xf32, #tpu.memory_space<hbm>>
      tpu.enqueue_dma source(%dma_start3A_81 : memref<32x128xf32, #tpu.memory_space<hbm>>) target(%arg8 : memref<32x128xf32, #tpu.memory_space<vmem>>) target_semaphore(%run_scoped3A : memref<!tpu.dma_semaphore, #tpu.memory_space<semaphore_mem>>)
      %dma_wait3A_82 = arith.constant 0 : i32
      %dma_wait3A_83 = tpu.memref_slice %arg4[%add3A_12, %dma_wait3A_82] : memref<4096x128xf32, #tpu.memory_space<hbm>> -> memref<32x128xf32, #tpu.memory_space<hbm>>
      %dma_wait3A_84 = arith.constant 0 : i32
      %dma_wait3A_85 = tpu.memref_slice %arg4[%add3A_12, %dma_wait3A_84] : memref<4096x128xf32, #tpu.memory_space<hbm>> -> memref<32x128xf32, #tpu.memory_space<hbm>>
      tpu.wait_dma2 semaphore(%run_scoped3A : memref<!tpu.dma_semaphore, #tpu.memory_space<semaphore_mem>>) src(%dma_wait3A_85 : memref<32x128xf32, #tpu.memory_space<hbm>>) dst(%arg8 : memref<32x128xf32, #tpu.memory_space<vmem>>)
      tpu.yield
    }) : () -> ()
    %scan3A = arith.constant 0 : i32
    %scan3A_13 = arith.constant 0 : i32
    %scan3A_14 = arith.constant 512 : i32
    %scan3A_15 = arith.addi %scan3A_13, %scan3A_14 : i32
    %scan3A_16 = arith.constant 1 : i32
    scf.for %scan3A_78 = %scan3A_13 to %scan3A_15 step %scan3A_16  : i32 {
      %jit3A = arith.constant 16 : i32
      %div3A = arith.divsi %scan3A_78, %jit3A : i32
      %sign3A = arith.constant 0 : i32
      %sign3A_79 = arith.cmpi sgt, %scan3A_78, %sign3A : i32
      %sign3A_80 = arith.extui %sign3A_79 : i1 to i32
      %sign3A_81 = arith.constant 0 : i32
      %sign3A_82 = arith.cmpi slt, %scan3A_78, %sign3A_81 : i32
      %sign3A_83 = arith.extui %sign3A_82 : i1 to i32
      %sign3A_84 = arith.subi %sign3A_80, %sign3A_83 : i32
      %sign3A_85 = arith.constant 0 : i32
      %sign3A_86 = arith.cmpi sgt, %jit3A, %sign3A_85 : i32
      %sign3A_87 = arith.extui %sign3A_86 : i1 to i32
      %sign3A_88 = arith.constant 0 : i32
      %sign3A_89 = arith.cmpi slt, %jit3A, %sign3A_88 : i32
      %sign3A_90 = arith.extui %sign3A_89 : i1 to i32
      %sign3A_91 = arith.subi %sign3A_87, %sign3A_90 : i32
      %ne3A = arith.cmpi ne, %sign3A_84, %sign3A_91 : i32
      %rem3A = arith.remsi %scan3A_78, %jit3A : i32
      %ne3A_92 = arith.constant 0 : i32
      %ne3A_93 = arith.cmpi ne, %rem3A, %ne3A_92 : i32
      %and3A = arith.andi %ne3A, %ne3A_93 : i1
      %sub3A = arith.constant 1 : i32
      %sub3A_94 = arith.subi %div3A, %sub3A : i32
      %select_n3A = arith.select %and3A, %sub3A_94, %div3A : i32
      %get3A = arith.index_cast %scan3A_78 : i32 to index
      %get3A_95 = arith.constant 0 : index
      %get3A_96 = tpu.vector_load %arg7[%get3A, %get3A_95] {strides = array<i32>} : memref<512x128xf32, #tpu.memory_space<vmem>>, vector<1x16xf32>,
      %get3A_97 = vector.shape_cast %get3A_96 : vector<1x16xf32> to vector<16xf32>
      %get3A_98 = arith.index_cast %select_n3A : i32 to index
      %get3A_99 = arith.constant 0 : index
      %get3A_100 = tpu.vector_load %arg8[%get3A_98, %get3A_99] {strides = array<i32>} : memref<32x128xf32, #tpu.memory_space<vmem>>, vector<1x16xf32>,
      %get3A_101 = vector.shape_cast %get3A_100 : vector<1x16xf32> to vector<16xf32>
      %add3A_102 = arith.addf %get3A_97, %get3A_101 : vector<16xf32>
      %mul3A_103 = arith.constant 5.000000e-01 : f32
      %mul3A_104 = vector.broadcast %mul3A_103 : f32 to vector<16xf32>
      %mul3A_105 = arith.mulf %add3A_102, %mul3A_104 : vector<16xf32>
      %swap3A = arith.index_cast %scan3A_78 : i32 to index
      %swap3A_106 = arith.constant 0 : index
      %swap3A_107 = tpu.vector_load %arg7[%swap3A, %swap3A_106] {strides = array<i32>} : memref<512x128xf32, #tpu.memory_space<vmem>>, vector<1x16xf32>,
      %swap3A_108 = vector.shape_cast %swap3A_107 : vector<1x16xf32> to vector<16xf32>
      %swap3A_109 = vector.shape_cast %mul3A_105 : vector<16xf32> to vector<1x16xf32>
      tpu.vector_store %arg7[%swap3A, %swap3A_106], %swap3A_109 {strides = array<i32>} : memref<512x128xf32, #tpu.memory_space<vmem>>, vector<1x16xf32>,
      %get3A_110 = arith.index_cast %scan3A_78 : i32 to index
      %get3A_111 = arith.constant 16 : index
      %get3A_112 = tpu.vector_load %arg7[%get3A_110, %get3A_111] {strides = array<i32>} : memref<512x128xf32, #tpu.memory_space<vmem>>, vector<1x16xf32>,
      %get3A_113 = vector.shape_cast %get3A_112 : vector<1x16xf32> to vector<16xf32>
      %get3A_114 = arith.index_cast %select_n3A : i32 to index
      %get3A_115 = arith.constant 16 : index
      %get3A_116 = tpu.vector_load %arg8[%get3A_114, %get3A_115] {strides = array<i32>} : memref<32x128xf32, #tpu.memory_space<vmem>>, vector<1x16xf32>,
      %get3A_117 = vector.shape_cast %get3A_116 : vector<1x16xf32> to vector<16xf32>
      %add3A_118 = arith.addf %get3A_113, %get3A_117 : vector<16xf32>
      %mul3A_119 = arith.constant 5.000000e-01 : f32
      %mul3A_120 = vector.broadcast %mul3A_119 : f32 to vector<16xf32>
      %mul3A_121 = arith.mulf %add3A_118, %mul3A_120 : vector<16xf32>
      %swap3A_122 = arith.index_cast %scan3A_78 : i32 to index
      %swap3A_123 = arith.constant 16 : index
      %swap3A_124 = tpu.vector_load %arg7[%swap3A_122, %swap3A_123] {strides = array<i32>} : memref<512x128xf32, #tpu.memory_space<vmem>>, vector<1x16xf32>,
      %swap3A_125 = vector.shape_cast %swap3A_124 : vector<1x16xf32> to vector<16xf32>
      %swap3A_126 = vector.shape_cast %mul3A_121 : vector<16xf32> to vector<1x16xf32>
      tpu.vector_store %arg7[%swap3A_122, %swap3A_123], %swap3A_126 {strides = array<i32>} : memref<512x128xf32, #tpu.memory_space<vmem>>, vector<1x16xf32>,
      %get3A_127 = arith.index_cast %scan3A_78 : i32 to index
      %get3A_128 = arith.constant 32 : index
      %get3A_129 = tpu.vector_load %arg7[%get3A_127, %get3A_128] {strides = array<i32>} : memref<512x128xf32, #tpu.memory_space<vmem>>, vector<1x16xf32>,
      %get3A_130 = vector.shape_cast %get3A_129 : vector<1x16xf32> to vector<16xf32>
      %get3A_131 = arith.index_cast %select_n3A : i32 to index
      %get3A_132 = arith.constant 32 : index
      %get3A_133 = tpu.vector_load %arg8[%get3A_131, %get3A_132] {strides = array<i32>} : memref<32x128xf32, #tpu.memory_space<vmem>>, vector<1x16xf32>,
      %get3A_134 = vector.shape_cast %get3A_133 : vector<1x16xf32> to vector<16xf32>
      %add3A_135 = arith.addf %get3A_130, %get3A_134 : vector<16xf32>
      %mul3A_136 = arith.constant 5.000000e-01 : f32
      %mul3A_137 = vector.broadcast %mul3A_136 : f32 to vector<16xf32>
      %mul3A_138 = arith.mulf %add3A_135, %mul3A_137 : vector<16xf32>
      %swap3A_139 = arith.index_cast %scan3A_78 : i32 to index
      %swap3A_140 = arith.constant 32 : index
      %swap3A_141 = tpu.vector_load %arg7[%swap3A_139, %swap3A_140] {strides = array<i32>} : memref<512x128xf32, #tpu.memory_space<vmem>>, vector<1x16xf32>,
      %swap3A_142 = vector.shape_cast %swap3A_141 : vector<1x16xf32> to vector<16xf32>
      %swap3A_143 = vector.shape_cast %mul3A_138 : vector<16xf32> to vector<1x16xf32>
      tpu.vector_store %arg7[%swap3A_139, %swap3A_140], %swap3A_143 {strides = array<i32>} : memref<512x128xf32, #tpu.memory_space<vmem>>, vector<1x16xf32>,
      %get3A_144 = arith.index_cast %scan3A_78 : i32 to index
      %get3A_145 = arith.constant 48 : index
      %get3A_146 = tpu.vector_load %arg7[%get3A_144, %get3A_145] {strides = array<i32>} : memref<512x128xf32, #tpu.memory_space<vmem>>, vector<1x16xf32>,
      %get3A_147 = vector.shape_cast %get3A_146 : vector<1x16xf32> to vector<16xf32>
      %get3A_148 = arith.index_cast %select_n3A : i32 to index
      %get3A_149 = arith.constant 48 : index
      %get3A_150 = tpu.vector_load %arg8[%get3A_148, %get3A_149] {strides = array<i32>} : memref<32x128xf32, #tpu.memory_space<vmem>>, vector<1x16xf32>,
      %get3A_151 = vector.shape_cast %get3A_150 : vector<1x16xf32> to vector<16xf32>
      %add3A_152 = arith.addf %get3A_147, %get3A_151 : vector<16xf32>
      %mul3A_153 = arith.constant 5.000000e-01 : f32
      %mul3A_154 = vector.broadcast %mul3A_153 : f32 to vector<16xf32>
      %mul3A_155 = arith.mulf %add3A_152, %mul3A_154 : vector<16xf32>
      %swap3A_156 = arith.index_cast %scan3A_78 : i32 to index
      %swap3A_157 = arith.constant 48 : index
      %swap3A_158 = tpu.vector_load %arg7[%swap3A_156, %swap3A_157] {strides = array<i32>} : memref<512x128xf32, #tpu.memory_space<vmem>>, vector<1x16xf32>,
      %swap3A_159 = vector.shape_cast %swap3A_158 : vector<1x16xf32> to vector<16xf32>
      %swap3A_160 = vector.shape_cast %mul3A_155 : vector<16xf32> to vector<1x16xf32>
      tpu.vector_store %arg7[%swap3A_156, %swap3A_157], %swap3A_160 {strides = array<i32>} : memref<512x128xf32, #tpu.memory_space<vmem>>, vector<1x16xf32>,
    }
    %scan3A_17 = arith.constant 512 : i32
    "tpu.region"() ({
      %run_scoped3A = tpu.sem_alloc : memref<!tpu.dma_semaphore, #tpu.memory_space<semaphore_mem>>
      %dma_start3A_78 = arith.constant 0 : i32
      %dma_start3A_79 = tpu.memref_slice %arg5[%add3A_4, %dma_start3A_78] : memref<65536x128xf32, #tpu.memory_space<hbm>> -> memref<512x128xf32, #tpu.memory_space<hbm>>
      %dma_start3A_80 = arith.constant 0 : i32
      %dma_start3A_81 = tpu.memref_slice %arg5[%add3A_4, %dma_start3A_80] : memref<65536x128xf32, #tpu.memory_space<hbm>> -> memref<512x128xf32, #tpu.memory_space<hbm>>
      tpu.enqueue_dma source(%arg7 : memref<512x128xf32, #tpu.memory_space<vmem>>) target(%dma_start3A_81 : memref<512x128xf32, #tpu.memory_space<hbm>>) target_semaphore(%run_scoped3A : memref<!tpu.dma_semaphore, #tpu.memory_space<semaphore_mem>>)
      %dma_wait3A_82 = arith.constant 0 : i32
      %dma_wait3A_83 = tpu.memref_slice %arg5[%add3A_4, %dma_wait3A_82] : memref<65536x128xf32, #tpu.memory_space<hbm>> -> memref<512x128xf32, #tpu.memory_space<hbm>>
      %dma_wait3A_84 = arith.constant 0 : i32
      %dma_wait3A_85 = tpu.memref_slice %arg5[%add3A_4, %dma_wait3A_84] : memref<65536x128xf32, #tpu.memory_space<hbm>> -> memref<512x128xf32, #tpu.memory_space<hbm>>
      tpu.wait_dma2 semaphore(%run_scoped3A : memref<!tpu.dma_semaphore, #tpu.memory_space<semaphore_mem>>) src(%arg7 : memref<512x128xf32, #tpu.memory_space<vmem>>) dst(%dma_wait3A_85 : memref<512x128xf32, #tpu.memory_space<hbm>>)
      tpu.yield
    }) : () -> ()
    %mul3A_18 = arith.constant 2048 : i32
    %mul3A_19 = arith.muli %add3A, %mul3A_18 : i32
    %add3A_20 = arith.constant 512 : i32
    %add3A_21 = arith.addi %mul3A_19, %add3A_20 : i32
    "tpu.region"() ({
      %run_scoped3A = tpu.sem_alloc : memref<!tpu.dma_semaphore, #tpu.memory_space<semaphore_mem>>
      %dma_start3A_78 = tpu.memref_slice %arg3[%add3A_21] : memref<65536xi32, #tpu.memory_space<hbm>> -> memref<512xi32, #tpu.memory_space<hbm>>
      %dma_start3A_79 = tpu.memref_slice %arg3[%add3A_21] : memref<65536xi32, #tpu.memory_space<hbm>> -> memref<512xi32, #tpu.memory_space<hbm>>
      tpu.enqueue_dma source(%dma_start3A_79 : memref<512xi32, #tpu.memory_space<hbm>>) target(%arg6 : memref<512xi32, #tpu.memory_space<vmem>>) target_semaphore(%run_scoped3A : memref<!tpu.dma_semaphore, #tpu.memory_space<semaphore_mem>>)
      %dma_wait3A_80 = tpu.memref_slice %arg3[%add3A_21] : memref<65536xi32, #tpu.memory_space<hbm>> -> memref<512xi32, #tpu.memory_space<hbm>>
      %dma_wait3A_81 = tpu.memref_slice %arg3[%add3A_21] : memref<65536xi32, #tpu.memory_space<hbm>> -> memref<512xi32, #tpu.memory_space<hbm>>
      tpu.wait_dma2 semaphore(%run_scoped3A : memref<!tpu.dma_semaphore, #tpu.memory_space<semaphore_mem>>) src(%dma_wait3A_81 : memref<512xi32, #tpu.memory_space<hbm>>) dst(%arg6 : memref<512xi32, #tpu.memory_space<vmem>>)
      tpu.yield
    }) : () -> ()
    %dma_start3A_22 = arith.constant 0 : i32
    %dma_start3A_23 = arith.constant 0 : i32
    %dma_start3A_24 = tpu.memref_slice %arg2[%dma_start3A_22, %dma_start3A_23] : memref<100000x128xf32, #tpu.memory_space<hbm>> -> memref<100000x128xf32, #tpu.memory_space<hbm>>
    tpu.enqueue_indirect_dma source(%dma_start3A_24 : memref<100000x128xf32, #tpu.memory_space<hbm>>) target(%arg7 : memref<512x128xf32, #tpu.memory_space<vmem>>) offsets(%arg6 : memref<512xi32, #tpu.memory_space<vmem>>) semaphore(%arg9 : memref<!tpu.dma_semaphore, #tpu.memory_space<semaphore_mem>>)
    %dma_wait3A_25 = arith.constant 0 : i32
    %dma_wait3A_26 = arith.constant 0 : i32
    %dma_wait3A_27 = tpu.memref_slice %arg2[%dma_wait3A_25, %dma_wait3A_26] : memref<100000x128xf32, #tpu.memory_space<hbm>> -> memref<100000x128xf32, #tpu.memory_space<hbm>>
    tpu.wait_indirect_dma semaphore(%arg9 : memref<!tpu.dma_semaphore, #tpu.memory_space<semaphore_mem>>) src(%dma_wait3A_27 : memref<100000x128xf32, #tpu.memory_space<hbm>>) dst(%arg7 : memref<512x128xf32, #tpu.memory_space<vmem>>)
    %mul3A_28 = arith.constant 128 : i32
    %mul3A_29 = arith.muli %add3A, %mul3A_28 : i32
    %add3A_30 = arith.constant 32 : i32
    %add3A_31 = arith.addi %mul3A_29, %add3A_30 : i32
    "tpu.region"() ({
      %run_scoped3A = tpu.sem_alloc : memref<!tpu.dma_semaphore, #tpu.memory_space<semaphore_mem>>
      %dma_start3A_78 = arith.constant 0 : i32
      %dma_start3A_79 = tpu.memref_slice %arg4[%add3A_31, %dma_start3A_78] : memref<4096x128xf32, #tpu.memory_space<hbm>> -> memref<32x128xf32, #tpu.memory_space<hbm>>
      %dma_start3A_80 = arith.constant 0 : i32
      %dma_start3A_81 = tpu.memref_slice %arg4[%add3A_31, %dma_start3A_80] : memref<4096x128xf32, #tpu.memory_space<hbm>> -> memref<32x128xf32, #tpu.memory_space<hbm>>
      tpu.enqueue_dma source(%dma_start3A_81 : memref<32x128xf32, #tpu.memory_space<hbm>>) target(%arg8 : memref<32x128xf32, #tpu.memory_space<vmem>>) target_semaphore(%run_scoped3A : memref<!tpu.dma_semaphore, #tpu.memory_space<semaphore_mem>>)
      %dma_wait3A_82 = arith.constant 0 : i32
      %dma_wait3A_83 = tpu.memref_slice %arg4[%add3A_31, %dma_wait3A_82] : memref<4096x128xf32, #tpu.memory_space<hbm>> -> memref<32x128xf32, #tpu.memory_space<hbm>>
      %dma_wait3A_84 = arith.constant 0 : i32
      %dma_wait3A_85 = tpu.memref_slice %arg4[%add3A_31, %dma_wait3A_84] : memref<4096x128xf32, #tpu.memory_space<hbm>> -> memref<32x128xf32, #tpu.memory_space<hbm>>
      tpu.wait_dma2 semaphore(%run_scoped3A : memref<!tpu.dma_semaphore, #tpu.memory_space<semaphore_mem>>) src(%dma_wait3A_85 : memref<32x128xf32, #tpu.memory_space<hbm>>) dst(%arg8 : memref<32x128xf32, #tpu.memory_space<vmem>>)
      tpu.yield
    }) : () -> ()
    %scan3A_32 = arith.constant 0 : i32
    %scan3A_33 = arith.constant 0 : i32
    %scan3A_34 = arith.constant 512 : i32
    %scan3A_35 = arith.addi %scan3A_33, %scan3A_34 : i32
    %scan3A_36 = arith.constant 1 : i32
    scf.for %scan3A_78 = %scan3A_33 to %scan3A_35 step %scan3A_36  : i32 {
      %jit3A = arith.constant 16 : i32
      %div3A = arith.divsi %scan3A_78, %jit3A : i32
      %sign3A = arith.constant 0 : i32
      %sign3A_79 = arith.cmpi sgt, %scan3A_78, %sign3A : i32
      %sign3A_80 = arith.extui %sign3A_79 : i1 to i32
      %sign3A_81 = arith.constant 0 : i32
      %sign3A_82 = arith.cmpi slt, %scan3A_78, %sign3A_81 : i32
      %sign3A_83 = arith.extui %sign3A_82 : i1 to i32
      %sign3A_84 = arith.subi %sign3A_80, %sign3A_83 : i32
      %sign3A_85 = arith.constant 0 : i32
      %sign3A_86 = arith.cmpi sgt, %jit3A, %sign3A_85 : i32
      %sign3A_87 = arith.extui %sign3A_86 : i1 to i32
      %sign3A_88 = arith.constant 0 : i32
      %sign3A_89 = arith.cmpi slt, %jit3A, %sign3A_88 : i32
      %sign3A_90 = arith.extui %sign3A_89 : i1 to i32
      %sign3A_91 = arith.subi %sign3A_87, %sign3A_90 : i32
      %ne3A = arith.cmpi ne, %sign3A_84, %sign3A_91 : i32
      %rem3A = arith.remsi %scan3A_78, %jit3A : i32
      %ne3A_92 = arith.constant 0 : i32
      %ne3A_93 = arith.cmpi ne, %rem3A, %ne3A_92 : i32
      %and3A = arith.andi %ne3A, %ne3A_93 : i1
      %sub3A = arith.constant 1 : i32
      %sub3A_94 = arith.subi %div3A, %sub3A : i32
      %select_n3A = arith.select %and3A, %sub3A_94, %div3A : i32
      %get3A = arith.index_cast %scan3A_78 : i32 to index
      %get3A_95 = arith.constant 0 : index
      %get3A_96 = tpu.vector_load %arg7[%get3A, %get3A_95] {strides = array<i32>} : memref<512x128xf32, #tpu.memory_space<vmem>>, vector<1x16xf32>,
      %get3A_97 = vector.shape_cast %get3A_96 : vector<1x16xf32> to vector<16xf32>
      %get3A_98 = arith.index_cast %select_n3A : i32 to index
      %get3A_99 = arith.constant 0 : index
      %get3A_100 = tpu.vector_load %arg8[%get3A_98, %get3A_99] {strides = array<i32>} : memref<32x128xf32, #tpu.memory_space<vmem>>, vector<1x16xf32>,
      %get3A_101 = vector.shape_cast %get3A_100 : vector<1x16xf32> to vector<16xf32>
      %add3A_102 = arith.addf %get3A_97, %get3A_101 : vector<16xf32>
      %mul3A_103 = arith.constant 5.000000e-01 : f32
      %mul3A_104 = vector.broadcast %mul3A_103 : f32 to vector<16xf32>
      %mul3A_105 = arith.mulf %add3A_102, %mul3A_104 : vector<16xf32>
      %swap3A = arith.index_cast %scan3A_78 : i32 to index
      %swap3A_106 = arith.constant 0 : index
      %swap3A_107 = tpu.vector_load %arg7[%swap3A, %swap3A_106] {strides = array<i32>} : memref<512x128xf32, #tpu.memory_space<vmem>>, vector<1x16xf32>,
      %swap3A_108 = vector.shape_cast %swap3A_107 : vector<1x16xf32> to vector<16xf32>
      %swap3A_109 = vector.shape_cast %mul3A_105 : vector<16xf32> to vector<1x16xf32>
      tpu.vector_store %arg7[%swap3A, %swap3A_106], %swap3A_109 {strides = array<i32>} : memref<512x128xf32, #tpu.memory_space<vmem>>, vector<1x16xf32>,
      %get3A_110 = arith.index_cast %scan3A_78 : i32 to index
      %get3A_111 = arith.constant 16 : index
      %get3A_112 = tpu.vector_load %arg7[%get3A_110, %get3A_111] {strides = array<i32>} : memref<512x128xf32, #tpu.memory_space<vmem>>, vector<1x16xf32>,
      %get3A_113 = vector.shape_cast %get3A_112 : vector<1x16xf32> to vector<16xf32>
      %get3A_114 = arith.index_cast %select_n3A : i32 to index
      %get3A_115 = arith.constant 16 : index
      %get3A_116 = tpu.vector_load %arg8[%get3A_114, %get3A_115] {strides = array<i32>} : memref<32x128xf32, #tpu.memory_space<vmem>>, vector<1x16xf32>,
      %get3A_117 = vector.shape_cast %get3A_116 : vector<1x16xf32> to vector<16xf32>
      %add3A_118 = arith.addf %get3A_113, %get3A_117 : vector<16xf32>
      %mul3A_119 = arith.constant 5.000000e-01 : f32
      %mul3A_120 = vector.broadcast %mul3A_119 : f32 to vector<16xf32>
      %mul3A_121 = arith.mulf %add3A_118, %mul3A_120 : vector<16xf32>
      %swap3A_122 = arith.index_cast %scan3A_78 : i32 to index
      %swap3A_123 = arith.constant 16 : index
      %swap3A_124 = tpu.vector_load %arg7[%swap3A_122, %swap3A_123] {strides = array<i32>} : memref<512x128xf32, #tpu.memory_space<vmem>>, vector<1x16xf32>,
      %swap3A_125 = vector.shape_cast %swap3A_124 : vector<1x16xf32> to vector<16xf32>
      %swap3A_126 = vector.shape_cast %mul3A_121 : vector<16xf32> to vector<1x16xf32>
      tpu.vector_store %arg7[%swap3A_122, %swap3A_123], %swap3A_126 {strides = array<i32>} : memref<512x128xf32, #tpu.memory_space<vmem>>, vector<1x16xf32>,
      %get3A_127 = arith.index_cast %scan3A_78 : i32 to index
      %get3A_128 = arith.constant 32 : index
      %get3A_129 = tpu.vector_load %arg7[%get3A_127, %get3A_128] {strides = array<i32>} : memref<512x128xf32, #tpu.memory_space<vmem>>, vector<1x16xf32>,
      %get3A_130 = vector.shape_cast %get3A_129 : vector<1x16xf32> to vector<16xf32>
      %get3A_131 = arith.index_cast %select_n3A : i32 to index
      %get3A_132 = arith.constant 32 : index
      %get3A_133 = tpu.vector_load %arg8[%get3A_131, %get3A_132] {strides = array<i32>} : memref<32x128xf32, #tpu.memory_space<vmem>>, vector<1x16xf32>,
      %get3A_134 = vector.shape_cast %get3A_133 : vector<1x16xf32> to vector<16xf32>
      %add3A_135 = arith.addf %get3A_130, %get3A_134 : vector<16xf32>
      %mul3A_136 = arith.constant 5.000000e-01 : f32
      %mul3A_137 = vector.broadcast %mul3A_136 : f32 to vector<16xf32>
      %mul3A_138 = arith.mulf %add3A_135, %mul3A_137 : vector<16xf32>
      %swap3A_139 = arith.index_cast %scan3A_78 : i32 to index
      %swap3A_140 = arith.constant 32 : index
      %swap3A_141 = tpu.vector_load %arg7[%swap3A_139, %swap3A_140] {strides = array<i32>} : memref<512x128xf32, #tpu.memory_space<vmem>>, vector<1x16xf32>,
      %swap3A_142 = vector.shape_cast %swap3A_141 : vector<1x16xf32> to vector<16xf32>
      %swap3A_143 = vector.shape_cast %mul3A_138 : vector<16xf32> to vector<1x16xf32>
      tpu.vector_store %arg7[%swap3A_139, %swap3A_140], %swap3A_143 {strides = array<i32>} : memref<512x128xf32, #tpu.memory_space<vmem>>, vector<1x16xf32>,
      %get3A_144 = arith.index_cast %scan3A_78 : i32 to index
      %get3A_145 = arith.constant 48 : index
      %get3A_146 = tpu.vector_load %arg7[%get3A_144, %get3A_145] {strides = array<i32>} : memref<512x128xf32, #tpu.memory_space<vmem>>, vector<1x16xf32>,
      %get3A_147 = vector.shape_cast %get3A_146 : vector<1x16xf32> to vector<16xf32>
      %get3A_148 = arith.index_cast %select_n3A : i32 to index
      %get3A_149 = arith.constant 48 : index
      %get3A_150 = tpu.vector_load %arg8[%get3A_148, %get3A_149] {strides = array<i32>} : memref<32x128xf32, #tpu.memory_space<vmem>>, vector<1x16xf32>,
      %get3A_151 = vector.shape_cast %get3A_150 : vector<1x16xf32> to vector<16xf32>
      %add3A_152 = arith.addf %get3A_147, %get3A_151 : vector<16xf32>
      %mul3A_153 = arith.constant 5.000000e-01 : f32
      %mul3A_154 = vector.broadcast %mul3A_153 : f32 to vector<16xf32>
      %mul3A_155 = arith.mulf %add3A_152, %mul3A_154 : vector<16xf32>
      %swap3A_156 = arith.index_cast %scan3A_78 : i32 to index
      %swap3A_157 = arith.constant 48 : index
      %swap3A_158 = tpu.vector_load %arg7[%swap3A_156, %swap3A_157] {strides = array<i32>} : memref<512x128xf32, #tpu.memory_space<vmem>>, vector<1x16xf32>,
      %swap3A_159 = vector.shape_cast %swap3A_158 : vector<1x16xf32> to vector<16xf32>
      %swap3A_160 = vector.shape_cast %mul3A_155 : vector<16xf32> to vector<1x16xf32>
      tpu.vector_store %arg7[%swap3A_156, %swap3A_157], %swap3A_160 {strides = array<i32>} : memref<512x128xf32, #tpu.memory_space<vmem>>, vector<1x16xf32>,
    }
    %scan3A_37 = arith.constant 512 : i32
    "tpu.region"() ({
      %run_scoped3A = tpu.sem_alloc : memref<!tpu.dma_semaphore, #tpu.memory_space<semaphore_mem>>
      %dma_start3A_78 = arith.constant 0 : i32
      %dma_start3A_79 = tpu.memref_slice %arg5[%add3A_21, %dma_start3A_78] : memref<65536x128xf32, #tpu.memory_space<hbm>> -> memref<512x128xf32, #tpu.memory_space<hbm>>
      %dma_start3A_80 = arith.constant 0 : i32
      %dma_start3A_81 = tpu.memref_slice %arg5[%add3A_21, %dma_start3A_80] : memref<65536x128xf32, #tpu.memory_space<hbm>> -> memref<512x128xf32, #tpu.memory_space<hbm>>
      tpu.enqueue_dma source(%arg7 : memref<512x128xf32, #tpu.memory_space<vmem>>) target(%dma_start3A_81 : memref<512x128xf32, #tpu.memory_space<hbm>>) target_semaphore(%run_scoped3A : memref<!tpu.dma_semaphore, #tpu.memory_space<semaphore_mem>>)
      %dma_wait3A_82 = arith.constant 0 : i32
      %dma_wait3A_83 = tpu.memref_slice %arg5[%add3A_21, %dma_wait3A_82] : memref<65536x128xf32, #tpu.memory_space<hbm>> -> memref<512x128xf32, #tpu.memory_space<hbm>>
      %dma_wait3A_84 = arith.constant 0 : i32
      %dma_wait3A_85 = tpu.memref_slice %arg5[%add3A_21, %dma_wait3A_84] : memref<65536x128xf32, #tpu.memory_space<hbm>> -> memref<512x128xf32, #tpu.memory_space<hbm>>
      tpu.wait_dma2 semaphore(%run_scoped3A : memref<!tpu.dma_semaphore, #tpu.memory_space<semaphore_mem>>) src(%arg7 : memref<512x128xf32, #tpu.memory_space<vmem>>) dst(%dma_wait3A_85 : memref<512x128xf32, #tpu.memory_space<hbm>>)
      tpu.yield
    }) : () -> ()
    %mul3A_38 = arith.constant 2048 : i32
    %mul3A_39 = arith.muli %add3A, %mul3A_38 : i32
    %add3A_40 = arith.constant 1024 : i32
    %add3A_41 = arith.addi %mul3A_39, %add3A_40 : i32
    "tpu.region"() ({
      %run_scoped3A = tpu.sem_alloc : memref<!tpu.dma_semaphore, #tpu.memory_space<semaphore_mem>>
      %dma_start3A_78 = tpu.memref_slice %arg3[%add3A_41] : memref<65536xi32, #tpu.memory_space<hbm>> -> memref<512xi32, #tpu.memory_space<hbm>>
      %dma_start3A_79 = tpu.memref_slice %arg3[%add3A_41] : memref<65536xi32, #tpu.memory_space<hbm>> -> memref<512xi32, #tpu.memory_space<hbm>>
      tpu.enqueue_dma source(%dma_start3A_79 : memref<512xi32, #tpu.memory_space<hbm>>) target(%arg6 : memref<512xi32, #tpu.memory_space<vmem>>) target_semaphore(%run_scoped3A : memref<!tpu.dma_semaphore, #tpu.memory_space<semaphore_mem>>)
      %dma_wait3A_80 = tpu.memref_slice %arg3[%add3A_41] : memref<65536xi32, #tpu.memory_space<hbm>> -> memref<512xi32, #tpu.memory_space<hbm>>
      %dma_wait3A_81 = tpu.memref_slice %arg3[%add3A_41] : memref<65536xi32, #tpu.memory_space<hbm>> -> memref<512xi32, #tpu.memory_space<hbm>>
      tpu.wait_dma2 semaphore(%run_scoped3A : memref<!tpu.dma_semaphore, #tpu.memory_space<semaphore_mem>>) src(%dma_wait3A_81 : memref<512xi32, #tpu.memory_space<hbm>>) dst(%arg6 : memref<512xi32, #tpu.memory_space<vmem>>)
      tpu.yield
    }) : () -> ()
    %dma_start3A_42 = arith.constant 0 : i32
    %dma_start3A_43 = arith.constant 0 : i32
    %dma_start3A_44 = tpu.memref_slice %arg2[%dma_start3A_42, %dma_start3A_43] : memref<100000x128xf32, #tpu.memory_space<hbm>> -> memref<100000x128xf32, #tpu.memory_space<hbm>>
    tpu.enqueue_indirect_dma source(%dma_start3A_44 : memref<100000x128xf32, #tpu.memory_space<hbm>>) target(%arg7 : memref<512x128xf32, #tpu.memory_space<vmem>>) offsets(%arg6 : memref<512xi32, #tpu.memory_space<vmem>>) semaphore(%arg9 : memref<!tpu.dma_semaphore, #tpu.memory_space<semaphore_mem>>)
    %dma_wait3A_45 = arith.constant 0 : i32
    %dma_wait3A_46 = arith.constant 0 : i32
    %dma_wait3A_47 = tpu.memref_slice %arg2[%dma_wait3A_45, %dma_wait3A_46] : memref<100000x128xf32, #tpu.memory_space<hbm>> -> memref<100000x128xf32, #tpu.memory_space<hbm>>
    tpu.wait_indirect_dma semaphore(%arg9 : memref<!tpu.dma_semaphore, #tpu.memory_space<semaphore_mem>>) src(%dma_wait3A_47 : memref<100000x128xf32, #tpu.memory_space<hbm>>) dst(%arg7 : memref<512x128xf32, #tpu.memory_space<vmem>>)
    %mul3A_48 = arith.constant 128 : i32
    %mul3A_49 = arith.muli %add3A, %mul3A_48 : i32
    %add3A_50 = arith.constant 64 : i32
    %add3A_51 = arith.addi %mul3A_49, %add3A_50 : i32
    "tpu.region"() ({
      %run_scoped3A = tpu.sem_alloc : memref<!tpu.dma_semaphore, #tpu.memory_space<semaphore_mem>>
      %dma_start3A_78 = arith.constant 0 : i32
      %dma_start3A_79 = tpu.memref_slice %arg4[%add3A_51, %dma_start3A_78] : memref<4096x128xf32, #tpu.memory_space<hbm>> -> memref<32x128xf32, #tpu.memory_space<hbm>>
      %dma_start3A_80 = arith.constant 0 : i32
      %dma_start3A_81 = tpu.memref_slice %arg4[%add3A_51, %dma_start3A_80] : memref<4096x128xf32, #tpu.memory_space<hbm>> -> memref<32x128xf32, #tpu.memory_space<hbm>>
      tpu.enqueue_dma source(%dma_start3A_81 : memref<32x128xf32, #tpu.memory_space<hbm>>) target(%arg8 : memref<32x128xf32, #tpu.memory_space<vmem>>) target_semaphore(%run_scoped3A : memref<!tpu.dma_semaphore, #tpu.memory_space<semaphore_mem>>)
      %dma_wait3A_82 = arith.constant 0 : i32
      %dma_wait3A_83 = tpu.memref_slice %arg4[%add3A_51, %dma_wait3A_82] : memref<4096x128xf32, #tpu.memory_space<hbm>> -> memref<32x128xf32, #tpu.memory_space<hbm>>
      %dma_wait3A_84 = arith.constant 0 : i32
      %dma_wait3A_85 = tpu.memref_slice %arg4[%add3A_51, %dma_wait3A_84] : memref<4096x128xf32, #tpu.memory_space<hbm>> -> memref<32x128xf32, #tpu.memory_space<hbm>>
      tpu.wait_dma2 semaphore(%run_scoped3A : memref<!tpu.dma_semaphore, #tpu.memory_space<semaphore_mem>>) src(%dma_wait3A_85 : memref<32x128xf32, #tpu.memory_space<hbm>>) dst(%arg8 : memref<32x128xf32, #tpu.memory_space<vmem>>)
      tpu.yield
    }) : () -> ()
    %scan3A_52 = arith.constant 0 : i32
    %scan3A_53 = arith.constant 0 : i32
    %scan3A_54 = arith.constant 512 : i32
    %scan3A_55 = arith.addi %scan3A_53, %scan3A_54 : i32
    %scan3A_56 = arith.constant 1 : i32
    scf.for %scan3A_78 = %scan3A_53 to %scan3A_55 step %scan3A_56  : i32 {
      %jit3A = arith.constant 16 : i32
      %div3A = arith.divsi %scan3A_78, %jit3A : i32
      %sign3A = arith.constant 0 : i32
      %sign3A_79 = arith.cmpi sgt, %scan3A_78, %sign3A : i32
      %sign3A_80 = arith.extui %sign3A_79 : i1 to i32
      %sign3A_81 = arith.constant 0 : i32
      %sign3A_82 = arith.cmpi slt, %scan3A_78, %sign3A_81 : i32
      %sign3A_83 = arith.extui %sign3A_82 : i1 to i32
      %sign3A_84 = arith.subi %sign3A_80, %sign3A_83 : i32
      %sign3A_85 = arith.constant 0 : i32
      %sign3A_86 = arith.cmpi sgt, %jit3A, %sign3A_85 : i32
      %sign3A_87 = arith.extui %sign3A_86 : i1 to i32
      %sign3A_88 = arith.constant 0 : i32
      %sign3A_89 = arith.cmpi slt, %jit3A, %sign3A_88 : i32
      %sign3A_90 = arith.extui %sign3A_89 : i1 to i32
      %sign3A_91 = arith.subi %sign3A_87, %sign3A_90 : i32
      %ne3A = arith.cmpi ne, %sign3A_84, %sign3A_91 : i32
      %rem3A = arith.remsi %scan3A_78, %jit3A : i32
      %ne3A_92 = arith.constant 0 : i32
      %ne3A_93 = arith.cmpi ne, %rem3A, %ne3A_92 : i32
      %and3A = arith.andi %ne3A, %ne3A_93 : i1
      %sub3A = arith.constant 1 : i32
      %sub3A_94 = arith.subi %div3A, %sub3A : i32
      %select_n3A = arith.select %and3A, %sub3A_94, %div3A : i32
      %get3A = arith.index_cast %scan3A_78 : i32 to index
      %get3A_95 = arith.constant 0 : index
      %get3A_96 = tpu.vector_load %arg7[%get3A, %get3A_95] {strides = array<i32>} : memref<512x128xf32, #tpu.memory_space<vmem>>, vector<1x16xf32>,
      %get3A_97 = vector.shape_cast %get3A_96 : vector<1x16xf32> to vector<16xf32>
      %get3A_98 = arith.index_cast %select_n3A : i32 to index
      %get3A_99 = arith.constant 0 : index
      %get3A_100 = tpu.vector_load %arg8[%get3A_98, %get3A_99] {strides = array<i32>} : memref<32x128xf32, #tpu.memory_space<vmem>>, vector<1x16xf32>,
      %get3A_101 = vector.shape_cast %get3A_100 : vector<1x16xf32> to vector<16xf32>
      %add3A_102 = arith.addf %get3A_97, %get3A_101 : vector<16xf32>
      %mul3A_103 = arith.constant 5.000000e-01 : f32
      %mul3A_104 = vector.broadcast %mul3A_103 : f32 to vector<16xf32>
      %mul3A_105 = arith.mulf %add3A_102, %mul3A_104 : vector<16xf32>
      %swap3A = arith.index_cast %scan3A_78 : i32 to index
      %swap3A_106 = arith.constant 0 : index
      %swap3A_107 = tpu.vector_load %arg7[%swap3A, %swap3A_106] {strides = array<i32>} : memref<512x128xf32, #tpu.memory_space<vmem>>, vector<1x16xf32>,
      %swap3A_108 = vector.shape_cast %swap3A_107 : vector<1x16xf32> to vector<16xf32>
      %swap3A_109 = vector.shape_cast %mul3A_105 : vector<16xf32> to vector<1x16xf32>
      tpu.vector_store %arg7[%swap3A, %swap3A_106], %swap3A_109 {strides = array<i32>} : memref<512x128xf32, #tpu.memory_space<vmem>>, vector<1x16xf32>,
      %get3A_110 = arith.index_cast %scan3A_78 : i32 to index
      %get3A_111 = arith.constant 16 : index
      %get3A_112 = tpu.vector_load %arg7[%get3A_110, %get3A_111] {strides = array<i32>} : memref<512x128xf32, #tpu.memory_space<vmem>>, vector<1x16xf32>,
      %get3A_113 = vector.shape_cast %get3A_112 : vector<1x16xf32> to vector<16xf32>
      %get3A_114 = arith.index_cast %select_n3A : i32 to index
      %get3A_115 = arith.constant 16 : index
      %get3A_116 = tpu.vector_load %arg8[%get3A_114, %get3A_115] {strides = array<i32>} : memref<32x128xf32, #tpu.memory_space<vmem>>, vector<1x16xf32>,
      %get3A_117 = vector.shape_cast %get3A_116 : vector<1x16xf32> to vector<16xf32>
      %add3A_118 = arith.addf %get3A_113, %get3A_117 : vector<16xf32>
      %mul3A_119 = arith.constant 5.000000e-01 : f32
      %mul3A_120 = vector.broadcast %mul3A_119 : f32 to vector<16xf32>
      %mul3A_121 = arith.mulf %add3A_118, %mul3A_120 : vector<16xf32>
      %swap3A_122 = arith.index_cast %scan3A_78 : i32 to index
      %swap3A_123 = arith.constant 16 : index
      %swap3A_124 = tpu.vector_load %arg7[%swap3A_122, %swap3A_123] {strides = array<i32>} : memref<512x128xf32, #tpu.memory_space<vmem>>, vector<1x16xf32>,
      %swap3A_125 = vector.shape_cast %swap3A_124 : vector<1x16xf32> to vector<16xf32>
      %swap3A_126 = vector.shape_cast %mul3A_121 : vector<16xf32> to vector<1x16xf32>
      tpu.vector_store %arg7[%swap3A_122, %swap3A_123], %swap3A_126 {strides = array<i32>} : memref<512x128xf32, #tpu.memory_space<vmem>>, vector<1x16xf32>,
      %get3A_127 = arith.index_cast %scan3A_78 : i32 to index
      %get3A_128 = arith.constant 32 : index
      %get3A_129 = tpu.vector_load %arg7[%get3A_127, %get3A_128] {strides = array<i32>} : memref<512x128xf32, #tpu.memory_space<vmem>>, vector<1x16xf32>,
      %get3A_130 = vector.shape_cast %get3A_129 : vector<1x16xf32> to vector<16xf32>
      %get3A_131 = arith.index_cast %select_n3A : i32 to index
      %get3A_132 = arith.constant 32 : index
      %get3A_133 = tpu.vector_load %arg8[%get3A_131, %get3A_132] {strides = array<i32>} : memref<32x128xf32, #tpu.memory_space<vmem>>, vector<1x16xf32>,
      %get3A_134 = vector.shape_cast %get3A_133 : vector<1x16xf32> to vector<16xf32>
      %add3A_135 = arith.addf %get3A_130, %get3A_134 : vector<16xf32>
      %mul3A_136 = arith.constant 5.000000e-01 : f32
      %mul3A_137 = vector.broadcast %mul3A_136 : f32 to vector<16xf32>
      %mul3A_138 = arith.mulf %add3A_135, %mul3A_137 : vector<16xf32>
      %swap3A_139 = arith.index_cast %scan3A_78 : i32 to index
      %swap3A_140 = arith.constant 32 : index
      %swap3A_141 = tpu.vector_load %arg7[%swap3A_139, %swap3A_140] {strides = array<i32>} : memref<512x128xf32, #tpu.memory_space<vmem>>, vector<1x16xf32>,
      %swap3A_142 = vector.shape_cast %swap3A_141 : vector<1x16xf32> to vector<16xf32>
      %swap3A_143 = vector.shape_cast %mul3A_138 : vector<16xf32> to vector<1x16xf32>
      tpu.vector_store %arg7[%swap3A_139, %swap3A_140], %swap3A_143 {strides = array<i32>} : memref<512x128xf32, #tpu.memory_space<vmem>>, vector<1x16xf32>,
      %get3A_144 = arith.index_cast %scan3A_78 : i32 to index
      %get3A_145 = arith.constant 48 : index
      %get3A_146 = tpu.vector_load %arg7[%get3A_144, %get3A_145] {strides = array<i32>} : memref<512x128xf32, #tpu.memory_space<vmem>>, vector<1x16xf32>,
      %get3A_147 = vector.shape_cast %get3A_146 : vector<1x16xf32> to vector<16xf32>
      %get3A_148 = arith.index_cast %select_n3A : i32 to index
      %get3A_149 = arith.constant 48 : index
      %get3A_150 = tpu.vector_load %arg8[%get3A_148, %get3A_149] {strides = array<i32>} : memref<32x128xf32, #tpu.memory_space<vmem>>, vector<1x16xf32>,
      %get3A_151 = vector.shape_cast %get3A_150 : vector<1x16xf32> to vector<16xf32>
      %add3A_152 = arith.addf %get3A_147, %get3A_151 : vector<16xf32>
      %mul3A_153 = arith.constant 5.000000e-01 : f32
      %mul3A_154 = vector.broadcast %mul3A_153 : f32 to vector<16xf32>
      %mul3A_155 = arith.mulf %add3A_152, %mul3A_154 : vector<16xf32>
      %swap3A_156 = arith.index_cast %scan3A_78 : i32 to index
      %swap3A_157 = arith.constant 48 : index
      %swap3A_158 = tpu.vector_load %arg7[%swap3A_156, %swap3A_157] {strides = array<i32>} : memref<512x128xf32, #tpu.memory_space<vmem>>, vector<1x16xf32>,
      %swap3A_159 = vector.shape_cast %swap3A_158 : vector<1x16xf32> to vector<16xf32>
      %swap3A_160 = vector.shape_cast %mul3A_155 : vector<16xf32> to vector<1x16xf32>
      tpu.vector_store %arg7[%swap3A_156, %swap3A_157], %swap3A_160 {strides = array<i32>} : memref<512x128xf32, #tpu.memory_space<vmem>>, vector<1x16xf32>,
    }
    %scan3A_57 = arith.constant 512 : i32
    "tpu.region"() ({
      %run_scoped3A = tpu.sem_alloc : memref<!tpu.dma_semaphore, #tpu.memory_space<semaphore_mem>>
      %dma_start3A_78 = arith.constant 0 : i32
      %dma_start3A_79 = tpu.memref_slice %arg5[%add3A_41, %dma_start3A_78] : memref<65536x128xf32, #tpu.memory_space<hbm>> -> memref<512x128xf32, #tpu.memory_space<hbm>>
      %dma_start3A_80 = arith.constant 0 : i32
      %dma_start3A_81 = tpu.memref_slice %arg5[%add3A_41, %dma_start3A_80] : memref<65536x128xf32, #tpu.memory_space<hbm>> -> memref<512x128xf32, #tpu.memory_space<hbm>>
      tpu.enqueue_dma source(%arg7 : memref<512x128xf32, #tpu.memory_space<vmem>>) target(%dma_start3A_81 : memref<512x128xf32, #tpu.memory_space<hbm>>) target_semaphore(%run_scoped3A : memref<!tpu.dma_semaphore, #tpu.memory_space<semaphore_mem>>)
      %dma_wait3A_82 = arith.constant 0 : i32
      %dma_wait3A_83 = tpu.memref_slice %arg5[%add3A_41, %dma_wait3A_82] : memref<65536x128xf32, #tpu.memory_space<hbm>> -> memref<512x128xf32, #tpu.memory_space<hbm>>
      %dma_wait3A_84 = arith.constant 0 : i32
      %dma_wait3A_85 = tpu.memref_slice %arg5[%add3A_41, %dma_wait3A_84] : memref<65536x128xf32, #tpu.memory_space<hbm>> -> memref<512x128xf32, #tpu.memory_space<hbm>>
      tpu.wait_dma2 semaphore(%run_scoped3A : memref<!tpu.dma_semaphore, #tpu.memory_space<semaphore_mem>>) src(%arg7 : memref<512x128xf32, #tpu.memory_space<vmem>>) dst(%dma_wait3A_85 : memref<512x128xf32, #tpu.memory_space<hbm>>)
      tpu.yield
    }) : () -> ()
    %mul3A_58 = arith.constant 2048 : i32
    %mul3A_59 = arith.muli %add3A, %mul3A_58 : i32
    %add3A_60 = arith.constant 1536 : i32
    %add3A_61 = arith.addi %mul3A_59, %add3A_60 : i32
    "tpu.region"() ({
      %run_scoped3A = tpu.sem_alloc : memref<!tpu.dma_semaphore, #tpu.memory_space<semaphore_mem>>
      %dma_start3A_78 = tpu.memref_slice %arg3[%add3A_61] : memref<65536xi32, #tpu.memory_space<hbm>> -> memref<512xi32, #tpu.memory_space<hbm>>
      %dma_start3A_79 = tpu.memref_slice %arg3[%add3A_61] : memref<65536xi32, #tpu.memory_space<hbm>> -> memref<512xi32, #tpu.memory_space<hbm>>
      tpu.enqueue_dma source(%dma_start3A_79 : memref<512xi32, #tpu.memory_space<hbm>>) target(%arg6 : memref<512xi32, #tpu.memory_space<vmem>>) target_semaphore(%run_scoped3A : memref<!tpu.dma_semaphore, #tpu.memory_space<semaphore_mem>>)
      %dma_wait3A_80 = tpu.memref_slice %arg3[%add3A_61] : memref<65536xi32, #tpu.memory_space<hbm>> -> memref<512xi32, #tpu.memory_space<hbm>>
      %dma_wait3A_81 = tpu.memref_slice %arg3[%add3A_61] : memref<65536xi32, #tpu.memory_space<hbm>> -> memref<512xi32, #tpu.memory_space<hbm>>
      tpu.wait_dma2 semaphore(%run_scoped3A : memref<!tpu.dma_semaphore, #tpu.memory_space<semaphore_mem>>) src(%dma_wait3A_81 : memref<512xi32, #tpu.memory_space<hbm>>) dst(%arg6 : memref<512xi32, #tpu.memory_space<vmem>>)
      tpu.yield
    }) : () -> ()
    %dma_start3A_62 = arith.constant 0 : i32
    %dma_start3A_63 = arith.constant 0 : i32
    %dma_start3A_64 = tpu.memref_slice %arg2[%dma_start3A_62, %dma_start3A_63] : memref<100000x128xf32, #tpu.memory_space<hbm>> -> memref<100000x128xf32, #tpu.memory_space<hbm>>
    tpu.enqueue_indirect_dma source(%dma_start3A_64 : memref<100000x128xf32, #tpu.memory_space<hbm>>) target(%arg7 : memref<512x128xf32, #tpu.memory_space<vmem>>) offsets(%arg6 : memref<512xi32, #tpu.memory_space<vmem>>) semaphore(%arg9 : memref<!tpu.dma_semaphore, #tpu.memory_space<semaphore_mem>>)
    %dma_wait3A_65 = arith.constant 0 : i32
    %dma_wait3A_66 = arith.constant 0 : i32
    %dma_wait3A_67 = tpu.memref_slice %arg2[%dma_wait3A_65, %dma_wait3A_66] : memref<100000x128xf32, #tpu.memory_space<hbm>> -> memref<100000x128xf32, #tpu.memory_space<hbm>>
    tpu.wait_indirect_dma semaphore(%arg9 : memref<!tpu.dma_semaphore, #tpu.memory_space<semaphore_mem>>) src(%dma_wait3A_67 : memref<100000x128xf32, #tpu.memory_space<hbm>>) dst(%arg7 : memref<512x128xf32, #tpu.memory_space<vmem>>)
    %mul3A_68 = arith.constant 128 : i32
    %mul3A_69 = arith.muli %add3A, %mul3A_68 : i32
    %add3A_70 = arith.constant 96 : i32
    %add3A_71 = arith.addi %mul3A_69, %add3A_70 : i32
    "tpu.region"() ({
      %run_scoped3A = tpu.sem_alloc : memref<!tpu.dma_semaphore, #tpu.memory_space<semaphore_mem>>
      %dma_start3A_78 = arith.constant 0 : i32
      %dma_start3A_79 = tpu.memref_slice %arg4[%add3A_71, %dma_start3A_78] : memref<4096x128xf32, #tpu.memory_space<hbm>> -> memref<32x128xf32, #tpu.memory_space<hbm>>
      %dma_start3A_80 = arith.constant 0 : i32
      %dma_start3A_81 = tpu.memref_slice %arg4[%add3A_71, %dma_start3A_80] : memref<4096x128xf32, #tpu.memory_space<hbm>> -> memref<32x128xf32, #tpu.memory_space<hbm>>
      tpu.enqueue_dma source(%dma_start3A_81 : memref<32x128xf32, #tpu.memory_space<hbm>>) target(%arg8 : memref<32x128xf32, #tpu.memory_space<vmem>>) target_semaphore(%run_scoped3A : memref<!tpu.dma_semaphore, #tpu.memory_space<semaphore_mem>>)
      %dma_wait3A_82 = arith.constant 0 : i32
      %dma_wait3A_83 = tpu.memref_slice %arg4[%add3A_71, %dma_wait3A_82] : memref<4096x128xf32, #tpu.memory_space<hbm>> -> memref<32x128xf32, #tpu.memory_space<hbm>>
      %dma_wait3A_84 = arith.constant 0 : i32
      %dma_wait3A_85 = tpu.memref_slice %arg4[%add3A_71, %dma_wait3A_84] : memref<4096x128xf32, #tpu.memory_space<hbm>> -> memref<32x128xf32, #tpu.memory_space<hbm>>
      tpu.wait_dma2 semaphore(%run_scoped3A : memref<!tpu.dma_semaphore, #tpu.memory_space<semaphore_mem>>) src(%dma_wait3A_85 : memref<32x128xf32, #tpu.memory_space<hbm>>) dst(%arg8 : memref<32x128xf32, #tpu.memory_space<vmem>>)
      tpu.yield
    }) : () -> ()
    %scan3A_72 = arith.constant 0 : i32
    %scan3A_73 = arith.constant 0 : i32
    %scan3A_74 = arith.constant 512 : i32
    %scan3A_75 = arith.addi %scan3A_73, %scan3A_74 : i32
    %scan3A_76 = arith.constant 1 : i32
    scf.for %scan3A_78 = %scan3A_73 to %scan3A_75 step %scan3A_76  : i32 {
      %jit3A = arith.constant 16 : i32
      %div3A = arith.divsi %scan3A_78, %jit3A : i32
      %sign3A = arith.constant 0 : i32
      %sign3A_79 = arith.cmpi sgt, %scan3A_78, %sign3A : i32
      %sign3A_80 = arith.extui %sign3A_79 : i1 to i32
      %sign3A_81 = arith.constant 0 : i32
      %sign3A_82 = arith.cmpi slt, %scan3A_78, %sign3A_81 : i32
      %sign3A_83 = arith.extui %sign3A_82 : i1 to i32
      %sign3A_84 = arith.subi %sign3A_80, %sign3A_83 : i32
      %sign3A_85 = arith.constant 0 : i32
      %sign3A_86 = arith.cmpi sgt, %jit3A, %sign3A_85 : i32
      %sign3A_87 = arith.extui %sign3A_86 : i1 to i32
      %sign3A_88 = arith.constant 0 : i32
      %sign3A_89 = arith.cmpi slt, %jit3A, %sign3A_88 : i32
      %sign3A_90 = arith.extui %sign3A_89 : i1 to i32
      %sign3A_91 = arith.subi %sign3A_87, %sign3A_90 : i32
      %ne3A = arith.cmpi ne, %sign3A_84, %sign3A_91 : i32
      %rem3A = arith.remsi %scan3A_78, %jit3A : i32
      %ne3A_92 = arith.constant 0 : i32
      %ne3A_93 = arith.cmpi ne, %rem3A, %ne3A_92 : i32
      %and3A = arith.andi %ne3A, %ne3A_93 : i1
      %sub3A = arith.constant 1 : i32
      %sub3A_94 = arith.subi %div3A, %sub3A : i32
      %select_n3A = arith.select %and3A, %sub3A_94, %div3A : i32
      %get3A = arith.index_cast %scan3A_78 : i32 to index
      %get3A_95 = arith.constant 0 : index
      %get3A_96 = tpu.vector_load %arg7[%get3A, %get3A_95] {strides = array<i32>} : memref<512x128xf32, #tpu.memory_space<vmem>>, vector<1x16xf32>,
      %get3A_97 = vector.shape_cast %get3A_96 : vector<1x16xf32> to vector<16xf32>
      %get3A_98 = arith.index_cast %select_n3A : i32 to index
      %get3A_99 = arith.constant 0 : index
      %get3A_100 = tpu.vector_load %arg8[%get3A_98, %get3A_99] {strides = array<i32>} : memref<32x128xf32, #tpu.memory_space<vmem>>, vector<1x16xf32>,
      %get3A_101 = vector.shape_cast %get3A_100 : vector<1x16xf32> to vector<16xf32>
      %add3A_102 = arith.addf %get3A_97, %get3A_101 : vector<16xf32>
      %mul3A_103 = arith.constant 5.000000e-01 : f32
      %mul3A_104 = vector.broadcast %mul3A_103 : f32 to vector<16xf32>
      %mul3A_105 = arith.mulf %add3A_102, %mul3A_104 : vector<16xf32>
      %swap3A = arith.index_cast %scan3A_78 : i32 to index
      %swap3A_106 = arith.constant 0 : index
      %swap3A_107 = tpu.vector_load %arg7[%swap3A, %swap3A_106] {strides = array<i32>} : memref<512x128xf32, #tpu.memory_space<vmem>>, vector<1x16xf32>,
      %swap3A_108 = vector.shape_cast %swap3A_107 : vector<1x16xf32> to vector<16xf32>
      %swap3A_109 = vector.shape_cast %mul3A_105 : vector<16xf32> to vector<1x16xf32>
      tpu.vector_store %arg7[%swap3A, %swap3A_106], %swap3A_109 {strides = array<i32>} : memref<512x128xf32, #tpu.memory_space<vmem>>, vector<1x16xf32>,
      %get3A_110 = arith.index_cast %scan3A_78 : i32 to index
      %get3A_111 = arith.constant 16 : index
      %get3A_112 = tpu.vector_load %arg7[%get3A_110, %get3A_111] {strides = array<i32>} : memref<512x128xf32, #tpu.memory_space<vmem>>, vector<1x16xf32>,
      %get3A_113 = vector.shape_cast %get3A_112 : vector<1x16xf32> to vector<16xf32>
      %get3A_114 = arith.index_cast %select_n3A : i32 to index
      %get3A_115 = arith.constant 16 : index
      %get3A_116 = tpu.vector_load %arg8[%get3A_114, %get3A_115] {strides = array<i32>} : memref<32x128xf32, #tpu.memory_space<vmem>>, vector<1x16xf32>,
      %get3A_117 = vector.shape_cast %get3A_116 : vector<1x16xf32> to vector<16xf32>
      %add3A_118 = arith.addf %get3A_113, %get3A_117 : vector<16xf32>
      %mul3A_119 = arith.constant 5.000000e-01 : f32
      %mul3A_120 = vector.broadcast %mul3A_119 : f32 to vector<16xf32>
      %mul3A_121 = arith.mulf %add3A_118, %mul3A_120 : vector<16xf32>
      %swap3A_122 = arith.index_cast %scan3A_78 : i32 to index
      %swap3A_123 = arith.constant 16 : index
      %swap3A_124 = tpu.vector_load %arg7[%swap3A_122, %swap3A_123] {strides = array<i32>} : memref<512x128xf32, #tpu.memory_space<vmem>>, vector<1x16xf32>,
      %swap3A_125 = vector.shape_cast %swap3A_124 : vector<1x16xf32> to vector<16xf32>
      %swap3A_126 = vector.shape_cast %mul3A_121 : vector<16xf32> to vector<1x16xf32>
      tpu.vector_store %arg7[%swap3A_122, %swap3A_123], %swap3A_126 {strides = array<i32>} : memref<512x128xf32, #tpu.memory_space<vmem>>, vector<1x16xf32>,
      %get3A_127 = arith.index_cast %scan3A_78 : i32 to index
      %get3A_128 = arith.constant 32 : index
      %get3A_129 = tpu.vector_load %arg7[%get3A_127, %get3A_128] {strides = array<i32>} : memref<512x128xf32, #tpu.memory_space<vmem>>, vector<1x16xf32>,
      %get3A_130 = vector.shape_cast %get3A_129 : vector<1x16xf32> to vector<16xf32>
      %get3A_131 = arith.index_cast %select_n3A : i32 to index
      %get3A_132 = arith.constant 32 : index
      %get3A_133 = tpu.vector_load %arg8[%get3A_131, %get3A_132] {strides = array<i32>} : memref<32x128xf32, #tpu.memory_space<vmem>>, vector<1x16xf32>,
      %get3A_134 = vector.shape_cast %get3A_133 : vector<1x16xf32> to vector<16xf32>
      %add3A_135 = arith.addf %get3A_130, %get3A_134 : vector<16xf32>
      %mul3A_136 = arith.constant 5.000000e-01 : f32
      %mul3A_137 = vector.broadcast %mul3A_136 : f32 to vector<16xf32>
      %mul3A_138 = arith.mulf %add3A_135, %mul3A_137 : vector<16xf32>
      %swap3A_139 = arith.index_cast %scan3A_78 : i32 to index
      %swap3A_140 = arith.constant 32 : index
      %swap3A_141 = tpu.vector_load %arg7[%swap3A_139, %swap3A_140] {strides = array<i32>} : memref<512x128xf32, #tpu.memory_space<vmem>>, vector<1x16xf32>,
      %swap3A_142 = vector.shape_cast %swap3A_141 : vector<1x16xf32> to vector<16xf32>
      %swap3A_143 = vector.shape_cast %mul3A_138 : vector<16xf32> to vector<1x16xf32>
      tpu.vector_store %arg7[%swap3A_139, %swap3A_140], %swap3A_143 {strides = array<i32>} : memref<512x128xf32, #tpu.memory_space<vmem>>, vector<1x16xf32>,
      %get3A_144 = arith.index_cast %scan3A_78 : i32 to index
      %get3A_145 = arith.constant 48 : index
      %get3A_146 = tpu.vector_load %arg7[%get3A_144, %get3A_145] {strides = array<i32>} : memref<512x128xf32, #tpu.memory_space<vmem>>, vector<1x16xf32>,
      %get3A_147 = vector.shape_cast %get3A_146 : vector<1x16xf32> to vector<16xf32>
      %get3A_148 = arith.index_cast %select_n3A : i32 to index
      %get3A_149 = arith.constant 48 : index
      %get3A_150 = tpu.vector_load %arg8[%get3A_148, %get3A_149] {strides = array<i32>} : memref<32x128xf32, #tpu.memory_space<vmem>>, vector<1x16xf32>,
      %get3A_151 = vector.shape_cast %get3A_150 : vector<1x16xf32> to vector<16xf32>
      %add3A_152 = arith.addf %get3A_147, %get3A_151 : vector<16xf32>
      %mul3A_153 = arith.constant 5.000000e-01 : f32
      %mul3A_154 = vector.broadcast %mul3A_153 : f32 to vector<16xf32>
      %mul3A_155 = arith.mulf %add3A_152, %mul3A_154 : vector<16xf32>
      %swap3A_156 = arith.index_cast %scan3A_78 : i32 to index
      %swap3A_157 = arith.constant 48 : index
      %swap3A_158 = tpu.vector_load %arg7[%swap3A_156, %swap3A_157] {strides = array<i32>} : memref<512x128xf32, #tpu.memory_space<vmem>>, vector<1x16xf32>,
      %swap3A_159 = vector.shape_cast %swap3A_158 : vector<1x16xf32> to vector<16xf32>
      %swap3A_160 = vector.shape_cast %mul3A_155 : vector<16xf32> to vector<1x16xf32>
      tpu.vector_store %arg7[%swap3A_156, %swap3A_157], %swap3A_160 {strides = array<i32>} : memref<512x128xf32, #tpu.memory_space<vmem>>, vector<1x16xf32>,
    }
    %scan3A_77 = arith.constant 512 : i32
    "tpu.region"() ({
      %run_scoped3A = tpu.sem_alloc : memref<!tpu.dma_semaphore, #tpu.memory_space<semaphore_mem>>
      %dma_start3A_78 = arith.constant 0 : i32
      %dma_start3A_79 = tpu.memref_slice %arg5[%add3A_61, %dma_start3A_78] : memref<65536x128xf32, #tpu.memory_space<hbm>> -> memref<512x128xf32, #tpu.memory_space<hbm>>
      %dma_start3A_80 = arith.constant 0 : i32
      %dma_start3A_81 = tpu.memref_slice %arg5[%add3A_61, %dma_start3A_80] : memref<65536x128xf32, #tpu.memory_space<hbm>> -> memref<512x128xf32, #tpu.memory_space<hbm>>
      tpu.enqueue_dma source(%arg7 : memref<512x128xf32, #tpu.memory_space<vmem>>) target(%dma_start3A_81 : memref<512x128xf32, #tpu.memory_space<hbm>>) target_semaphore(%run_scoped3A : memref<!tpu.dma_semaphore, #tpu.memory_space<semaphore_mem>>)
      %dma_wait3A_82 = arith.constant 0 : i32
      %dma_wait3A_83 = tpu.memref_slice %arg5[%add3A_61, %dma_wait3A_82] : memref<65536x128xf32, #tpu.memory_space<hbm>> -> memref<512x128xf32, #tpu.memory_space<hbm>>
      %dma_wait3A_84 = arith.constant 0 : i32
      %dma_wait3A_85 = tpu.memref_slice %arg5[%add3A_61, %dma_wait3A_84] : memref<65536x128xf32, #tpu.memory_space<hbm>> -> memref<512x128xf32, #tpu.memory_space<hbm>>
      tpu.wait_dma2 semaphore(%run_scoped3A : memref<!tpu.dma_semaphore, #tpu.memory_space<semaphore_mem>>) src(%arg7 : memref<512x128xf32, #tpu.memory_space<vmem>>) dst(%dma_wait3A_85 : memref<512x128xf32, #tpu.memory_space<hbm>>)
      tpu.yield
    }) : () -> ()
    return
  }
}

module attributes {stable_mosaic.version = 14 : i64} {
  func.func @_topk_body(%arg0: i32, %arg1: i32, %arg2: memref<512x64xf32, #tpu.memory_space<vmem>>, %arg3: memref<2048x64xf32, #tpu.memory_space<vmem>>, %arg4: memref<512x16xf32, #tpu.memory_space<vmem>>, %arg5: memref<512x16xi32, #tpu.memory_space<vmem>>, %arg6: memref<512x16xf32, #tpu.memory_space<vmem>>, %arg7: memref<512x16xf32, #tpu.memory_space<vmem>>) attributes {dimension_semantics = [#tpu.dimension_semantics<arbitrary>, #tpu.dimension_semantics<arbitrary>], iteration_bounds = array<i64: 8, 49>, scalar_prefetch = 0 : i64, scratch_operands = 2 : i64, tpu.core_type = #tpu.core_type<tc>, window_params = [{transform_indices = @transform_0, window_bounds = array<i64: 512, 64>}, {transform_indices = @transform_1, window_bounds = array<i64: 2048, 64>}, {transform_indices = @transform_2, window_bounds = array<i64: 512, 16>}, {transform_indices = @transform_3, window_bounds = array<i64: 512, 16>}]} {
    %eq3A = arith.constant 0 : i32
    %eq3A_0 = arith.cmpi eq, %arg1, %eq3A : i32
    %convert_element_type3A = arith.extui %eq3A_0 : i1 to i32
    %cond3A = arith.constant 0 : i32
    %cond3A_1 = arith.cmpi ne, %convert_element_type3A, %cond3A : i32
    scf.if %cond3A_1 {
      %broadcast_in_dim3A_47 = arith.constant -3.000000e+38 : f32
      %broadcast_in_dim3A_48 = vector.broadcast %broadcast_in_dim3A_47 : f32 to vector<512x16xf32>
      %swap3A_49 = arith.constant 0 : index
      %swap3A_50 = arith.constant 0 : index
      %swap3A_51 = vector.load %arg6[%swap3A_49, %swap3A_50] : memref<512x16xf32, #tpu.memory_space<vmem>>, vector<512x16xf32>
      tpu.vector_store %arg6[%swap3A_49, %swap3A_50], %broadcast_in_dim3A_48 {strides = array<i32>} : memref<512x16xf32, #tpu.memory_space<vmem>>, vector<512x16xf32>,
      %broadcast_in_dim3A_52 = arith.constant 0.000000e+00 : f32
      %broadcast_in_dim3A_53 = vector.broadcast %broadcast_in_dim3A_52 : f32 to vector<512x16xf32>
      %swap3A_54 = arith.constant 0 : index
      %swap3A_55 = arith.constant 0 : index
      %swap3A_56 = vector.load %arg7[%swap3A_54, %swap3A_55] : memref<512x16xf32, #tpu.memory_space<vmem>>, vector<512x16xf32>
      tpu.vector_store %arg7[%swap3A_54, %swap3A_55], %broadcast_in_dim3A_53 {strides = array<i32>} : memref<512x16xf32, #tpu.memory_space<vmem>>, vector<512x16xf32>,
    } else {
    }
    %get3A = arith.constant 0 : index
    %get3A_2 = arith.constant 0 : index
    %get3A_3 = vector.load %arg2[%get3A, %get3A_2] : memref<512x64xf32, #tpu.memory_space<vmem>>, vector<512x64xf32>
    %get3A_4 = arith.constant 0 : index
    %get3A_5 = arith.constant 0 : index
    %get3A_6 = vector.load %arg3[%get3A_4, %get3A_5] : memref<2048x64xf32, #tpu.memory_space<vmem>>, vector<2048x64xf32>
    %dot_general3A = arith.constant dense<0.000000e+00> : vector<512x2048xf32>
    %dot_general3A_7 = tpu.matmul %get3A_3, %get3A_6, %dot_general3A {dimension_numbers = #tpu.dot_dimension_numbers<[1], [1], [0], [0], [0, 0, 1, 0], [], []>, transpose_lhs_hint = false} : vector<512x64xf32>, vector<2048x64xf32>, vector<512x2048xf32> -> vector<512x2048xf32>
    %mul3A = arith.mulf %get3A_3, %get3A_3 : vector<512x64xf32>
    %reduce_sum3A = arith.constant dense<0.000000e+00> : vector<512xf32>
    %reduce_sum3A_8 = vector.multi_reduction <add>, %mul3A, %reduce_sum3A [1] : vector<512x64xf32> to vector<512xf32>
    %broadcast_in_dim3A = vector.shape_cast %reduce_sum3A_8 : vector<512xf32> to vector<512x1xf32>
    %mul3A_9 = arith.mulf %get3A_6, %get3A_6 : vector<2048x64xf32>
    %reduce_sum3A_10 = arith.constant dense<0.000000e+00> : vector<2048xf32>
    %reduce_sum3A_11 = vector.multi_reduction <add>, %mul3A_9, %reduce_sum3A_10 [1] : vector<2048x64xf32> to vector<2048xf32>
    %broadcast_in_dim3A_12 = vector.shape_cast %reduce_sum3A_11 : vector<2048xf32> to vector<1x2048xf32>
    %mul3A_13 = arith.constant 2.000000e+00 : f32
    %mul3A_14 = vector.broadcast %mul3A_13 : f32 to vector<512x2048xf32>
    %mul3A_15 = arith.mulf %mul3A_14, %dot_general3A_7 : vector<512x2048xf32>
    %sub3A = vector.broadcast %broadcast_in_dim3A : vector<512x1xf32> to vector<512x2048xf32>
    %sub3A_16 = arith.subf %sub3A, %mul3A_15 : vector<512x2048xf32>
    %add3A = vector.broadcast %broadcast_in_dim3A_12 : vector<1x2048xf32> to vector<512x2048xf32>
    %add3A_17 = arith.addf %sub3A_16, %add3A : vector<512x2048xf32>
    %neg3A = arith.constant 0.000000e+00 : f32
    %neg3A_18 = vector.broadcast %neg3A : f32 to vector<512x2048xf32>
    %neg3A_19 = arith.subf %neg3A_18, %add3A_17 : vector<512x2048xf32>
    %iota3A = tpu.iota {dimensions = array<i32: 1>} : vector<512x2048xi32>
    %convert_element_type3A_20 = arith.sitofp %iota3A : vector<512x2048xi32> to vector<512x2048xf32>
    %mul3A_21 = arith.constant 2048 : i32
    %mul3A_22 = arith.muli %arg1, %mul3A_21 : i32
    %convert_element_type3A_23 = arith.sitofp %mul3A_22 : i32 to f32
    %iota3A_24 = tpu.iota {dimensions = array<i32: 1>} : vector<512x16xi32>
    %convert_element_type3A_25 = arith.sitofp %iota3A_24 : vector<512x16xi32> to vector<512x16xf32>
    %reduce_max3A = arith.constant dense<0xFF800000> : vector<512xf32>
    %reduce_max3A_26 = vector.multi_reduction <maximumf>, %neg3A_19, %reduce_max3A [1] : vector<512x2048xf32> to vector<512xf32>
    %broadcast_in_dim3A_27 = vector.shape_cast %reduce_max3A_26 : vector<512xf32> to vector<512x1xf32>
    %get3A_28 = arith.constant 0 : index
    %get3A_29 = arith.constant 15 : index
    %get3A_30 = vector.load %arg6[%get3A_28, %get3A_29] : memref<512x16xf32, #tpu.memory_space<vmem>>, vector<512x1xf32>
    %get3A_31 = arith.constant 0 : index
    %get3A_32 = arith.constant 0 : index
    %get3A_33 = vector.load %arg6[%get3A_31, %get3A_32] : memref<512x16xf32, #tpu.memory_space<vmem>>, vector<512x16xf32>
    %get3A_34 = arith.constant 0 : index
    %get3A_35 = arith.constant 0 : index
    %get3A_36 = vector.load %arg7[%get3A_34, %get3A_35] : memref<512x16xf32, #tpu.memory_space<vmem>>, vector<512x16xf32>
    %while3A:5 = scf.while (%while3A_47 = %neg3A_19, %while3A_48 = %broadcast_in_dim3A_27, %while3A_49 = %get3A_30, %while3A_50 = %get3A_33, %while3A_51 = %get3A_36) : (vector<512x2048xf32>, vector<512x1xf32>, vector<512x1xf32>, vector<512x16xf32>, vector<512x16xf32>) -> (vector<512x2048xf32>, vector<512x1xf32>, vector<512x1xf32>, vector<512x16xf32>, vector<512x16xf32>) {
      %gt3A = arith.cmpf ogt, %while3A_48, %while3A_49 : vector<512x1xf32>
      %reduce_or3A = arith.constant 1.000000e+00 : f32
      %reduce_or3A_52 = arith.constant 0.000000e+00 : f32
      %reduce_or3A_53 = vector.broadcast %reduce_or3A : f32 to vector<512x1xf32>
      %reduce_or3A_54 = vector.broadcast %reduce_or3A_52 : f32 to vector<512x1xf32>
      %reduce_or3A_55 = arith.select %gt3A, %reduce_or3A_53, %reduce_or3A_54 : vector<512x1xi1>, vector<512x1xf32>
      %reduce_or3A_56 = vector.shape_cast %reduce_or3A_55 : vector<512x1xf32> to vector<1x512x1xf32>
      %reduce_or3A_57 = arith.constant dense<0xFF800000> : vector<1xf32>
      %reduce_or3A_58 = vector.multi_reduction <maximumf>, %reduce_or3A_56, %reduce_or3A_57 [1, 2] : vector<1x512x1xf32> to vector<1xf32>
      %reduce_or3A_59 = vector.shape_cast %reduce_or3A_58 : vector<1xf32> to vector<1x1x1xf32>
      %reduce_or3A_60 = vector.extract %reduce_or3A_59[0, 0, 0] : f32 from vector<1x1x1xf32>
      %reduce_or3A_61 = arith.constant 0.000000e+00 : f32
      %reduce_or3A_62 = arith.cmpf ogt, %reduce_or3A_60, %reduce_or3A_61 : f32
      scf.condition(%reduce_or3A_62) %while3A_47, %while3A_48, %while3A_49, %while3A_50, %while3A_51 : vector<512x2048xf32>, vector<512x1xf32>, vector<512x1xf32>, vector<512x16xf32>, vector<512x16xf32>
    } do {
    ^bb0(%while3A_47: vector<512x2048xf32>, %while3A_48: vector<512x1xf32>, %while3A_49: vector<512x1xf32>, %while3A_50: vector<512x16xf32>, %while3A_51: vector<512x16xf32>):
      %eq3A_52 = vector.broadcast %while3A_48 : vector<512x1xf32> to vector<512x2048xf32>
      %eq3A_53 = arith.cmpf oeq, %while3A_47, %eq3A_52 : vector<512x2048xf32>
      %jit3A = arith.constant 2.000000e+30 : f32
      %broadcast_in_dim3A_54 = vector.broadcast %jit3A : f32 to vector<512x2048xf32>
      %select_n3A = arith.select %eq3A_53, %convert_element_type3A_20, %broadcast_in_dim3A_54 : vector<512x2048xi1>, vector<512x2048xf32>
      %reduce_min3A = arith.constant dense<0x7F800000> : vector<512xf32>
      %reduce_min3A_55 = vector.multi_reduction <minimumf>, %select_n3A, %reduce_min3A [1] : vector<512x2048xf32> to vector<512xf32>
      %broadcast_in_dim3A_56 = vector.shape_cast %reduce_min3A_55 : vector<512xf32> to vector<512x1xf32>
      %eq3A_57 = vector.broadcast %broadcast_in_dim3A_56 : vector<512x1xf32> to vector<512x2048xf32>
      %eq3A_58 = arith.cmpf oeq, %convert_element_type3A_20, %eq3A_57 : vector<512x2048xf32>
      %jit3A_59 = arith.constant -3.000000e+38 : f32
      %broadcast_in_dim3A_60 = vector.broadcast %jit3A_59 : f32 to vector<512x2048xf32>
      %select_n3A_61 = arith.select %eq3A_58, %broadcast_in_dim3A_60, %while3A_47 : vector<512x2048xi1>, vector<512x2048xf32>
      %add3A_62 = vector.broadcast %convert_element_type3A_23 : f32 to vector<512x1xf32>
      %add3A_63 = arith.addf %broadcast_in_dim3A_56, %add3A_62 : vector<512x1xf32>
      %gt3A = arith.cmpf ogt, %while3A_48, %while3A_49 : vector<512x1xf32>
      %ge3A = vector.broadcast %while3A_48 : vector<512x1xf32> to vector<512x16xf32>
      %ge3A_64 = arith.cmpf oge, %while3A_50, %ge3A : vector<512x16xf32>
      %jit3A_65 = arith.constant 1.000000e+00 : f32
      %jit3A_66 = arith.constant 0.000000e+00 : f32
      %broadcast_in_dim3A_67 = vector.broadcast %jit3A_65 : f32 to vector<512x16xf32>
      %broadcast_in_dim3A_68 = vector.broadcast %jit3A_66 : f32 to vector<512x16xf32>
      %select_n3A_69 = arith.select %ge3A_64, %broadcast_in_dim3A_67, %broadcast_in_dim3A_68 : vector<512x16xi1>, vector<512x16xf32>
      %reduce_sum3A_70 = arith.constant dense<0.000000e+00> : vector<512xf32>
      %reduce_sum3A_71 = vector.multi_reduction <add>, %select_n3A_69, %reduce_sum3A_70 [1] : vector<512x16xf32> to vector<512xf32>
      %broadcast_in_dim3A_72 = vector.shape_cast %reduce_sum3A_71 : vector<512xf32> to vector<512x1xf32>
      %jit3A_73 = arith.constant 1.600000e+01 : f32
      %broadcast_in_dim3A_74 = vector.broadcast %jit3A_73 : f32 to vector<512x1xf32>
      %select_n3A_75 = arith.select %gt3A, %broadcast_in_dim3A_72, %broadcast_in_dim3A_74 : vector<512x1xi1>, vector<512x1xf32>
      %slice3A = vector.extract_strided_slice %while3A_50 {offsets = [0, 0], sizes = [512, 15], strides = [1, 1]} : vector<512x16xf32> to vector<512x15xf32>
      %concatenate3A = tpu.concatenate %while3A_48, %slice3A in 1 : vector<512x1xf32>, vector<512x15xf32> -> vector<512x16xf32>
      %slice3A_76 = vector.extract_strided_slice %while3A_51 {offsets = [0, 0], sizes = [512, 15], strides = [1, 1]} : vector<512x16xf32> to vector<512x15xf32>
      %concatenate3A_77 = tpu.concatenate %add3A_63, %slice3A_76 in 1 : vector<512x1xf32>, vector<512x15xf32> -> vector<512x16xf32>
      %lt3A = vector.broadcast %select_n3A_75 : vector<512x1xf32> to vector<512x16xf32>
      %lt3A_78 = arith.cmpf olt, %convert_element_type3A_25, %lt3A : vector<512x16xf32>
      %eq3A_79 = vector.broadcast %select_n3A_75 : vector<512x1xf32> to vector<512x16xf32>
      %eq3A_80 = arith.cmpf oeq, %convert_element_type3A_25, %eq3A_79 : vector<512x16xf32>
      %broadcast_in_dim3A_81 = vector.shape_cast %while3A_48 : vector<512x1xf32> to vector<512x1xf32>
      %broadcast_in_dim3A_82 = vector.broadcast %broadcast_in_dim3A_81 : vector<512x1xf32> to vector<512x16xf32>
      %select_n3A_83 = arith.select %eq3A_80, %broadcast_in_dim3A_82, %concatenate3A : vector<512x16xi1>, vector<512x16xf32>
      %select_n3A_84 = arith.select %lt3A_78, %while3A_50, %select_n3A_83 : vector<512x16xi1>, vector<512x16xf32>
      %lt3A_85 = vector.broadcast %select_n3A_75 : vector<512x1xf32> to vector<512x16xf32>
      %lt3A_86 = arith.cmpf olt, %convert_element_type3A_25, %lt3A_85 : vector<512x16xf32>
      %eq3A_87 = vector.broadcast %select_n3A_75 : vector<512x1xf32> to vector<512x16xf32>
      %eq3A_88 = arith.cmpf oeq, %convert_element_type3A_25, %eq3A_87 : vector<512x16xf32>
      %broadcast_in_dim3A_89 = vector.shape_cast %add3A_63 : vector<512x1xf32> to vector<512x1xf32>
      %broadcast_in_dim3A_90 = vector.broadcast %broadcast_in_dim3A_89 : vector<512x1xf32> to vector<512x16xf32>
      %select_n3A_91 = arith.select %eq3A_88, %broadcast_in_dim3A_90, %concatenate3A_77 : vector<512x16xi1>, vector<512x16xf32>
      %select_n3A_92 = arith.select %lt3A_86, %while3A_51, %select_n3A_91 : vector<512x16xi1>, vector<512x16xf32>
      %reduce_max3A_93 = arith.constant dense<0xFF800000> : vector<512xf32>
      %reduce_max3A_94 = vector.multi_reduction <maximumf>, %select_n3A_61, %reduce_max3A_93 [1] : vector<512x2048xf32> to vector<512xf32>
      %broadcast_in_dim3A_95 = vector.shape_cast %reduce_max3A_94 : vector<512xf32> to vector<512x1xf32>
      %slice3A_96 = vector.extract_strided_slice %select_n3A_84 {offsets = [0, 15], sizes = [512, 1], strides = [1, 1]} : vector<512x16xf32> to vector<512x1xf32>
      scf.yield %select_n3A_61, %broadcast_in_dim3A_95, %slice3A_96, %select_n3A_84, %select_n3A_92 : vector<512x2048xf32>, vector<512x1xf32>, vector<512x1xf32>, vector<512x16xf32>, vector<512x16xf32>
    }
    %swap3A = arith.constant 0 : index
    %swap3A_37 = arith.constant 0 : index
    %swap3A_38 = vector.load %arg6[%swap3A, %swap3A_37] : memref<512x16xf32, #tpu.memory_space<vmem>>, vector<512x16xf32>
    tpu.vector_store %arg6[%swap3A, %swap3A_37], %while3A#3 {strides = array<i32>} : memref<512x16xf32, #tpu.memory_space<vmem>>, vector<512x16xf32>,
    %swap3A_39 = arith.constant 0 : index
    %swap3A_40 = arith.constant 0 : index
    %swap3A_41 = vector.load %arg7[%swap3A_39, %swap3A_40] : memref<512x16xf32, #tpu.memory_space<vmem>>, vector<512x16xf32>
    tpu.vector_store %arg7[%swap3A_39, %swap3A_40], %while3A#4 {strides = array<i32>} : memref<512x16xf32, #tpu.memory_space<vmem>>, vector<512x16xf32>,
    %eq3A_42 = arith.constant 48 : i32
    %eq3A_43 = arith.cmpi eq, %arg1, %eq3A_42 : i32
    %convert_element_type3A_44 = arith.extui %eq3A_43 : i1 to i32
    %cond3A_45 = arith.constant 0 : i32
    %cond3A_46 = arith.cmpi ne, %convert_element_type3A_44, %cond3A_45 : i32
    scf.if %cond3A_46 {
      %get3A_47 = arith.constant 0 : index
      %get3A_48 = arith.constant 0 : index
      %get3A_49 = vector.load %arg6[%get3A_47, %get3A_48] : memref<512x16xf32, #tpu.memory_space<vmem>>, vector<512x16xf32>
      %swap3A_50 = arith.constant 0 : index
      %swap3A_51 = arith.constant 0 : index
      %swap3A_52 = vector.load %arg4[%swap3A_50, %swap3A_51] : memref<512x16xf32, #tpu.memory_space<vmem>>, vector<512x16xf32>
      tpu.vector_store %arg4[%swap3A_50, %swap3A_51], %get3A_49 {strides = array<i32>} : memref<512x16xf32, #tpu.memory_space<vmem>>, vector<512x16xf32>,
      %get3A_53 = arith.constant 0 : index
      %get3A_54 = arith.constant 0 : index
      %get3A_55 = vector.load %arg7[%get3A_53, %get3A_54] : memref<512x16xf32, #tpu.memory_space<vmem>>, vector<512x16xf32>
      %convert_element_type3A_56 = arith.fptosi %get3A_55 : vector<512x16xf32> to vector<512x16xi32>
      %swap3A_57 = arith.constant 0 : index
      %swap3A_58 = arith.constant 0 : index
      %swap3A_59 = vector.load %arg5[%swap3A_57, %swap3A_58] : memref<512x16xi32, #tpu.memory_space<vmem>>, vector<512x16xi32>
      tpu.vector_store %arg5[%swap3A_57, %swap3A_58], %convert_element_type3A_56 {strides = array<i32>} : memref<512x16xi32, #tpu.memory_space<vmem>>, vector<512x16xi32>,
    } else {
    }
    return
  }
  func.func @transform_0(%arg0: i32, %arg1: i32) -> (i32, i32) {
    %c0_i32 = arith.constant 0 : i32
    %c0_i32_0 = arith.constant 0 : i32
    return %arg0, %c0_i32 : i32, i32
  }
  func.func @transform_1(%arg0: i32, %arg1: i32) -> (i32, i32) {
    %c0_i32 = arith.constant 0 : i32
    %c0_i32_0 = arith.constant 0 : i32
    return %arg1, %c0_i32 : i32, i32
  }
  func.func @transform_2(%arg0: i32, %arg1: i32) -> (i32, i32) {
    %c0_i32 = arith.constant 0 : i32
    %c0_i32_0 = arith.constant 0 : i32
    return %arg0, %c0_i32 : i32, i32
  }
  func.func @transform_3(%arg0: i32, %arg1: i32) -> (i32, i32) {
    %c0_i32 = arith.constant 0 : i32
    %c0_i32_0 = arith.constant 0 : i32
    return %arg0, %c0_i32 : i32, i32
  }
}

</mosaic_0001>

<sc_bundles>
// kernel: kernel.4.cloned.1.call-start
scs
__scs_entry_jumppad:
0x0: {  	(pc) =	sbr.rel $0x88, $3  }
0x1: {  	(tag) =	ssettag $0x0;
	lr =	simm.s32 $0x1  }
0x2: {  	[smem:$0x3F9E] =	sst lr;
	_ =	strace $0xD0000000  }
0x3: {  	_ = 	snop  }
0x4: {  	_ = 	snop  }
0x5: {  	_ = 	snop  }
0x6: {  	_ = 	snop  }
0x7: {  	_ = 	snop  }
__scs_overlays_trampoline_lowered:
0x8: {  	[smem:$0x3FAD] =	sst s0  }
0x9: {  	[smem:$0x3FAE] =	sst s1  }
0xa: {  	[smem:$0x3FAF] =	sst s2  }
0xb: {  	[smem:$0x3FB0] =	sst s3  }
0xc: {  	[smem:$0x3FB1] =	sst s4  }
0xd: {  	[smem:$0x3FB2] =	sst s5  }
0xe: {  	[smem:$0x3FB3] =	sst s6  }
0xf: {  	[smem:$0x3FB4] =	sst s7  }
0x10: {  	[smem:$0x3FB5] =	sst s8  }
0x11: {  	[smem:$0x3FB6] =	sst s9;
	s0 =	simm.s32 @!p0 $0x0  }
0x12: {  	s1 =	sld [smem:$0x3F9C];
	s0 =	simm.s32 @p0 $0x1  }
0x13: {  	[smem:$0x3FB7] =	sst s0;
	s0 =	simm.s32 @!p1 $0x0  }
0x14: {  	s2 =	sld [smem:$0x3F9B];
	s0 =	simm.s32 @p1 $0x1  }
0x15: {  	[smem:$0x3FB8] =	sst s0;
	s0 =	simm.s32 @!p2 $0x0  }
0x16: {  	s3 =	sld [smem:$0x3FDB];
	s0 =	simm.s32 @p2 $0x1  }
0x17: {  	s4 =	simm.s32 $0x1BF5;
	[smem:$0x3FBA] =	sst s0  }
0x18: {  	s0 =	sld [smem:$0x3F9D];
	_ =	swait.ge [sflag:s4], $0x0  }
0x19: {  	s7 =	sld [smem:$0x3F9E]  }
0x1a: {  	s8 =	sadd.s32 $0xFFFFE003, lr  }
0x1b: {  	s9 =	sadd.s32 $0xFFFFFEF7, lr;
	s5 =	simm.s32 $0xFFFFFFFF;
	p2 =	slt.u32 s8, $0xFFFFF086  }
0x1c: {  	p1 =	slt.u32 s9, $0xF7A;
	s5 =	simm.s32 @!p2 $0x0  }
0x1d: {  	s5 =	simm.s32 @p1 $0x1;
	p0 =	seq.s32 s7, s2  }
0x1e: {  	s7 =	smul.u32 @!p0 $0xF7A, s2;
	p2 =	seq.s32 @!p0 s5, $0x0  }
0x1f: {  	s9 =	smul.u32 $0xF7A, s1;
	s8 =	simm.s32 @!p0 $0x1BF5;
	p2 =	por !p2, p0  }
0x20: {  	[sflag:s8] =	ssyncset.s32 @!p0 $0xFFFFF086;
	s6 =	sadd.s32 @!p0 s3, s7;
	s7 =	simm.s32 @!p0 $0x108  }
0x21: {  	s3 =	sadd.s32 s3, s9;
	s6 =	sadd.s32 @!p0 $0x88, s6;
	s7 =	simm.s32 @p2 $0x1082  }
0x22: {  	[simem:s7], [sflag:s8] =	dma.local @!p0 [hbm:s6], $0xF7A  }
0x23: {  	s9 =	sor.u32 $0xD0000000, s2;
	s6 =	simm.s32 $0x108;
	_ =	swait.ge @!p0 [sflag:s8], $0x0  }
0x24: {  	s3 =	sadd.s32 $0x88, s3;
	s6 =	simm.s32 @!p1 $0x1082;
	[sflag:s4] =	ssyncset.s32 $0xFFFFF086  }
0x25: {  	[simem:s6], [sflag:s4] =	dma.local [hbm:s3], $0xF7A  }
0x26: {  	[smem:$0x3F9E] =	sst s1;
	(tag) =	ssettag s2;
	_ =	strace s9  }
0x27: {  	s1 =	sld [smem:$0x3FAE]  }
0x28: {  	s2 =	sld [smem:$0x3FAF]  }
0x29: {  	s4 =	sld [smem:$0x3FB1]  }
0x2a: {  	p0 =	seq.s32 s5, $0x0;
	s5 =	sld [smem:$0x3FB2]  }
0x2b: {  	s6 =	sld [smem:$0x3FB3]  }
0x2c: {  	s7 =	sld [smem:$0x3FB4]  }
0x2d: {  	s3 =	simm.s32 $0x108;
	s8 =	sld [smem:$0x3FB5]  }
0x2e: {  	s3 =	simm.s32 @!p0 $0x1082;
	s9 =	sld [smem:$0x3FB6]  }
0x2f: {  	lr =	sadd.s32 s0, s3;
	s0 =	sld [smem:$0x3FAD]  }
0x30: {  	s3 =	sld [smem:$0x3FB0]  }
0x31: {  	[smem:$0x3FB9] =	sst s10  }
0x32: {  	s10 =	sld [smem:$0x3FB7];
	_ =	sdelay $0x3  }
0x33: {  	p0 =	seq.s32 s10, $0x1;
	s10 =	sld [smem:$0x3FB9];
	_ =	sdelay $0x3  }
0x34: {  	[smem:$0x3FB9] =	sst s10  }
0x35: {  	s10 =	sld [smem:$0x3FB8];
	_ =	sdelay $0x3  }
0x36: {  	p1 =	seq.s32 s10, $0x1;
	s10 =	sld [smem:$0x3FB9];
	_ =	sdelay $0x3  }
0x37: {  	[smem:$0x3FB9] =	sst s10  }
0x38: {  	s10 =	sld [smem:$0x3FBA]  }
0x39: {  	_ = 	snop;
	(pc) =	sbr.ind lr, $3  }
0x3a: {  	_ = 	snop  }
0x3b: {  	_ = 	snop  }
0x3c: {  	p2 =	seq.s32 s10, $0x1;
	s10 =	sld [smem:$0x3FB9]  }
0x3d: {  	_ =	shalt  }
0x3e: {  	_ =	shalt  }
0x3f: {  	_ =	shalt  }
0x40: {  	_ =	shalt  }
0x41: {  	_ =	shalt  }
0x42: {  	_ =	shalt  }
0x43: {  	_ =	shalt  }
0x44: {  	_ =	shalt  }
0x45: {  	_ =	shalt  }
0x46: {  	_ =	shalt  }
0x47: {  	_ =	shalt  }
0x48: {  	_ =	shalt  }
0x49: {  	_ =	shalt  }
0x4a: {  	_ =	shalt  }
0x4b: {  	_ =	shalt  }
0x4c: {  	_ =	shalt  }
0x4d: {  	_ =	shalt  }
0x4e: {  	_ =	shalt  }
0x4f: {  	_ =	shalt  }
0x50: {  	_ =	shalt  }
0x51: {  	_ =	shalt  }
0x52: {  	_ =	shalt  }
0x53: {  	_ =	shalt  }
0x54: {  	_ =	shalt  }
0x55: {  	_ =	shalt  }
0x56: {  	_ =	shalt  }
0x57: {  	_ =	shalt  }
0x58: {  	_ =	shalt  }
0x59: {  	_ =	shalt  }
0x5a: {  	_ =	shalt  }
0x5b: {  	_ =	shalt  }
0x5c: {  	_ =	shalt  }
0x5d: {  	_ =	shalt  }
0x5e: {  	_ =	shalt  }
0x5f: {  	_ =	shalt  }
0x60: {  	_ =	shalt  }
0x61: {  	_ =	shalt  }
0x62: {  	_ =	shalt  }
0x63: {  	_ =	shalt  }
0x64: {  	_ =	shalt  }
0x65: {  	_ =	shalt  }
0x66: {  	_ =	shalt  }
0x67: {  	_ =	shalt  }
0x68: {  	_ =	shalt  }
0x69: {  	_ =	shalt  }
0x6a: {  	_ =	shalt  }
0x6b: {  	_ =	shalt  }
0x6c: {  	_ =	shalt  }
0x6d: {  	_ =	shalt  }
0x6e: {  	_ =	shalt  }
0x6f: {  	_ =	shalt  }
0x70: {  	_ =	shalt  }
0x71: {  	_ =	shalt  }
0x72: {  	_ =	shalt  }
0x73: {  	_ =	shalt  }
0x74: {  	_ =	shalt  }
0x75: {  	_ =	shalt  }
0x76: {  	_ =	shalt  }
0x77: {  	_ =	shalt  }
0x78: {  	_ =	shalt  }
0x79: {  	_ =	shalt  }
0x7a: {  	_ =	shalt  }
0x7b: {  	_ =	shalt  }
0x7c: {  	_ =	shalt  }
0x7d: {  	_ =	shalt  }
0x7e: {  	_ =	shalt  }
0x7f: {  	_ =	shalt  }
0x80: {  	_ =	shalt  }
0x81: {  	_ =	shalt  }
0x82: {  	_ =	shalt  }
0x83: {  	_ =	shalt  }
0x84: {  	_ =	shalt  }
0x85: {  	_ =	shalt  }
0x86: {  	_ =	shalt  }
0x87: {  	_ =	shalt  }
.Lfunc_end0:
.L_simem_size_0:
called_computation_lowered:
.L_overlay_start_0:
0x88: {  	s2 =	sld [smem:$0x3FD9]  }
0x89: {  	s3 =	sld [smem:$0x3FFE];
	_ =	sdelay $0x1  }
0x8a: {  	s1 =	srdreg.scid  }
0x8b: {  	s0 =	sand.u32 $0x1, s1  }
0x8c: {  	s14 =	sshll.u32 s0, $0xA;
	s2 =	sadd.s32 s3, s2  }
0x8d: {  	s2 =	sadd.s32 s2, s14  }
0x8e: {  	[smem:$0x3FC5] =	sst s2  }
0x8f: {  	_ = 	snop  }
0x90: {  	s2 =	sld [smem:$0x3FD0];
	_ =	sdelay $0x2  }
0x91: {  	s15 =	simm.s32 $0xA;
	s4 =	simm.s32 $0x10  }
0x92: {  	[smem:s4], [sflag:s15] =	dma.local [hbm:s2], $0x1  }
0x93: {  	_ =	swait.eq [sflag:s15], $0x1  }
0x94: {  	[sflag:s15] =	ssyncset.done $0x0  }
0x95: {  	[sflag:s15] =	ssyncadd.s32 $0xFFFFFFFF  }
0x96: {  	s16 =	sld [smem:$0x12];
	(tm) =	ssettm $0x1  }
0x97: {  	s17 =	sld [smem:$0x3FFB];
	_ =	sdelay $0x3  }
0x98: {  	_ =	strace s17  }
0x99: {  	s3 =	sld [smem:$0x3FFC];
	_ =	sdelay $0x3  }
0x9a: {  	_ =	strace s3  }
0x9b: {  	s3 =	sld [smem:$0x3FFD];
	_ =	sdelay $0x3  }
0x9c: {  	_ =	strace s3  }
0x9d: {  	_ =	strace $0x8FFFFFFF  }
0x9e: {  	s18 =	sld [smem:$0x3FDB];
	_ =	sdelay $0x1  }
0x9f: {  	s19 =	simm.s32 $_scs_section_size  }
0xa0: {  	s5 =	simm.s32 $_size__tile_overlayer_lowered;
	s6 =	simm.s32 $_tile_overlayer_lowered  }
0xa1: {  	s22 =	simm.s32 $0x1BFF;
	s21 =	sshll.u32 s6, $0x1;
	s3 =	sadd.s32 s19, s18  }
0xa2: {  	s7 =	simm.s32 $0x0;
	s20 =	sshll.u32 s5, $0x1;
	s5 =	sadd.s32 s21, s3  }
0xa3: {  	[timem:s7], [sflag:s22] =	dma.local [hbm:s5], s20  }
0xa4: {  	_ =	swait.ge [sflag:s22], s20  }
0xa5: {  	s4 =	ssub.s32 $0x0, s20;
	[sflag:s22] =	ssyncset.done $0x0  }
0xa6: {  	[sflag:s22] =	ssyncadd.s32 s4;
	_ =	sdelay $0x1  }
0xa7: {  	s23 =	simm.s32 $0x1B8B  }
0xa8: {  	_ =	swait.ge [sflag:s23], $0x1  }
0xa9: {  	[sflag:s23] =	ssyncset.done $0x0  }
0xaa: {  	s25 =	simm.s32 $0x1B8E;
	s24 =	sld [smem:$0x3FFE];
	[sflag:s23] =	ssyncadd.s32 $0xFFFFFFFF  }
0xab: {  	s26 =	simm.s32 $execute0_lowered;
	[smem:$0x3FD2] =	sst s25  }
0xac: {  	s5 =	sshll.u32 s26, $0x1;
	_ =	strace $0x80000046;
	[dreg:$0x1] =	wrdreg $0xFFFFFFFF  }
0xad: {  	s28 =	simm.s32 $_size_execute0_lowered;
	s3 =	sadd.s32 s3, s5;
	[dreg:$0x0] =	wrdreg $0x0  }
0xae: {  	s5 =	sshll.u32 s28, $0x1;
	[dreg:$0x2] =	wrdreg s3  }
0xaf: {  	[dreg:$0x3] =	wrdreg s5  }
0xb0: {  	[dreg:$0x4] =	wrdreg $0xC0  }
0xb1: {  	_ =	task [dreg:s7], $0x5FFFF  }
0xb2: {  	[dreg:$0x1] =	wrdreg $0xFFFFFFFF  }
0xb3: {  	[dreg:$0x0] =	wrdreg $0x60  }
0xb4: {  	[dreg:$0x2] =	wrdreg s24  }
0xb5: {  	[dreg:$0x3] =	wrdreg s16  }
0xb6: {  	[dreg:$0x4] =	wrdreg $0x9  }
0xb7: {  	_ =	task.clear_ibuf [dreg:s7], $0x5FFFF;
	_ =	strace $0x90000046  }
0xb8: {  	s29 =	simm.s32 $0x9;
	_ =	strace $0x80000048  }
0xb9: {  	_ =	swait.ge [sflag:s29], $0x1  }
0xba: {  	[sflag:s29] =	ssyncadd.s32 $0xFFFFFFFF  }
0xbb: {  	_ =	strace $0x90000048  }
0xbc: {  	_ =	sfence  }
0xbd: {  	s30 =	sld [smem:$0x0];
	_ =	sdelay $0x2  }
0xbe: {  	s31 =	sshll.u32 s1, $0xD;
	s1 =	sshrl.u32 s1, $0x2  }
0xbf: {  	s3 =	sand.u32 $0x4000, s31;
	s1 =	sadd.s32 s1, s30  }
0xc0: {  	s0 =	sor.u32 s3, s0;
	s1 =	sshll.u32 s1, $0x11  }
0xc1: {  	s0 =	sor.u32 s1, s0  }
0xc2: {  	s0 =	sadd.s32 $0x8F2B, s0  }
0xc3: {  	[sflag:s0] =	ssyncadd.remote.s32 $0x1  }
0xc4: {  	_ =	sfence.sel $0xFFFF  }
0xc5: {  	[dreg:$0x0] =	wrdreg $0xFFFFFFFF;
	(pc) =	sbr.abs _section_cstart, $3  }
0xc6: {  	[dreg:$0x1] =	wrdreg $0xFFFFFFFF  }
0xc7: {  	_ =	task.clear_ibuf [dreg:s7], $0x2FFFF;
	_ =	strace $0x9FFFFFFF  }
0xc8: {  	(tm) =	ssettm $0x7FFFFFFF  }
0xc9: {  	_ =	shalt  }
tec
execute0_lowered:
.L_overlay_start_1:
0x0: {  	(tag) =	ssettag $0x1  }
0x1: {  	s4 =	rddreg [dreg:$0x0]  }
0x2: {  	s5 =	rddreg [dreg:$0x1]  }
0x3: {  	s0 =	rddreg [dreg:$0x2];
	s2 =	simm.s32 $0x0;
	s6 =	srdreg.scid  }
0x4: {  	s1 =	stileid.u32;
	s18 =	simm.s32 $0x200;
	s19 =	simm.s32 $0x1  }
0x5: {  	s20 =	simm.s32 $0x10200;
	s21 =	simm.s32 $0x0;
	[smem:$0x7FF] =	sst s2  }
0x6: {  	s3 =	sadd.s32 $0x30F000, s4;
	s6 =	sand.u32 $0x1, s6;
	s7 =	sshll.u32 s1, $0x1  }
0x7: {  	s13 =	sadd.s32 $0x600, s4;
	s15 =	sadd.s32 $0x2600, s4;
	s8 =	ssub.s32 $0x2, s6  }
0x8: {  	_ =	strace $0x80000047;
	s6 =	sor.u32 s6, s7;
	s28 =	sshrl.u32 s8, $0x1  }
0x9: {  	s7 =	sshll.u32 s6, $0x8;
	s12 =	sshll.u32 s6, $0xB;
	s6 =	sshll.u32 s6, $0xF  }
0xa: {  	s16 =	ssub.s32 s8, s28;
	s4 =	sadd.s32 s13, s7;
	s5 =	sadd.s32 s5, s12  }
0xb: {  	s29 =	sor.u32 $0x200, s12;
	s6 =	sadd.s32 s15, s6;
	s14 =	sor.u32 $0x400, s12  }
0xc: {  	s17 =	sor.u32 $0x600, s12;
	s30 =	sshrl.u32 s29, $0x3;
	s9 =	sshll.u32 s29, $0x4  }
0xd: {  	s10 =	sshrl.u32 s14, $0x3;
	s8 =	sadd.s32 $0x200, s5;
	s11 =	sadd.s32 $0x400, s5  }
0xe: {  	s14 =	sshll.u32 s14, $0x4;
	s31 =	sshrl.u32 s17, $0x3;
	s17 =	sshll.u32 s17, $0x4  }
0xf: {  	s16 =	smax.u32 s16, $0x1;
	s7 =	sadd.s32 s13, s30;
	s9 =	sadd.s32 s15, s9  }
0x10: {  	s10 =	sadd.s32 s13, s10;
	s12 =	sadd.s32 s15, s14;
	s13 =	sadd.s32 s13, s31  }
0x11: {  	s14 =	sadd.s32 $0x600, s5;
	s15 =	sadd.s32 s15, s17;
	s17 =	simm.s32 $0x2  }
.LBB2_1:
0x12: {  	[tilespmem:s2], [sflag:$0x2] =	stream.linear.gather [hbm4b:s4+s2], $0x200, $0x38;
	[tilespmem:$0x11200] =	vst v63  }
0x13: {  	_ =	swait.ge [sflag:s17], $0x200  }
0x14: {  	[sflag:s17] =	ssyncset.done $0x0  }
0x15: {  	[sflag:s17] =	ssyncadd.s32 $0xFFFFFE00  }
0x16: {  	[tilespmem:s18], [sflag:$0x1] =	stream.indirect.gather [hbm4b:s3+s18], $0x80, s2, s18, $0xb8;
	[tilespmem:$0x11200] =	vst v63  }
0x17: {  	_ =	swait.ge [sflag:s19], $0x10000  }
0x18: {  	[sflag:s19] =	ssyncset.done $0x0  }
0x19: {  	[sflag:s19] =	ssyncadd.s32 $0xFFFF0000  }
0x1a: {  	[tilespmem:s20], [sflag:$0x2] =	stream.linear.gather [hbm4b:s5+s2], $0x1000, $0x38;
	[tilespmem:$0x11200] =	vst v63  }
0x1b: {  	_ =	swait.ge [sflag:s17], $0x1000  }
0x1c: {  	[sflag:s17] =	ssyncset.done $0x0  }
0x1d: {  	s22 =	simm.s32 $0x220;
	[sflag:s17] =	ssyncadd.s32 $0xFFFFF000  }
0x1e: {  	s24 =	sand.u32 $0xF80, s2;
	s25 =	simm.s32 $0x8;
	s23 =	simm.s32 $0x220;
	v0 =	vld [tilespmem:s22+$0xFFFFFFE0]  }
.LBB2_2:
0x1f: {  	p0 =	sne.s32 s25, $0xFF8;
	v1 =	vld [tilespmem:s24+$0x10200];
	_ =	sdelay $0x4  }
0x20: {  	v0 =	vadd.f32 v1, v0;
	_ =	sdelay $0x1  }
0x21: {  	v0 =	vmul.f32 $5.000000000e-01, v0;
	_ =	sdelay $0x1  }
0x22: {  	[tilespmem:s22+$0xFFFFFFE0] =	vst v0;
	v0 =	vld [tilespmem:s22+$0xFFFFFFF0]  }
0x23: {  	v1 =	vld [tilespmem:s24+$0x10210];
	_ =	sdelay $0x4  }
0x24: {  	v0 =	vadd.f32 v1, v0;
	_ =	sdelay $0x1  }
0x25: {  	v0 =	vmul.f32 $5.000000000e-01, v0;
	_ =	sdelay $0x1  }
0x26: {  	[tilespmem:s22+$0xFFFFFFF0] =	vst v0;
	v0 =	vld [tilespmem:s22+$0x0]  }
0x27: {  	v1 =	vld [tilespmem:s24+$0x10220];
	_ =	sdelay $0x4  }
0x28: {  	v0 =	vadd.f32 v1, v0;
	_ =	sdelay $0x1  }
0x29: {  	v0 =	vmul.f32 $5.000000000e-01, v0;
	_ =	sdelay $0x1  }
0x2a: {  	[tilespmem:s22+$0x0] =	vst v0;
	v0 =	vld [tilespmem:s22+$0x10]  }
0x2b: {  	v1 =	vld [tilespmem:s24+$0x10230];
	_ =	sdelay $0x4  }
.Ltmp0:
0x2c: {  	v0 =	vadd.f32 v1, v0;
	(pc) =	sbr.rel @p0 .LBB2_2-.Ltmp0, $4  }
0x2d: {  	_ = 	snop  }
0x2e: {  	v1 =	vmul.f32 $5.000000000e-01, v0  }
0x2f: {  	s22 =	sadd.s32 $0x80, s22  }
0x30: {  	s24 =	sand.u32 $0xF80, s25;
	s25 =	sadd.s32 $0x8, s25;
	v0 =	vld [tilespmem:s22+$0xFFFFFFE0];
	[tilespmem:s23+$0x10] =	vst v1;
	s23 =	smov.u32 s22  }
0x31: {  	v1 =	vld [tilespmem:s24+$0x10200];
	_ =	sdelay $0x4  }
0x32: {  	v0 =	vadd.f32 v1, v0;
	_ =	sdelay $0x1  }
0x33: {  	v0 =	vmul.f32 $5.000000000e-01, v0;
	_ =	sdelay $0x1  }
0x34: {  	[tilespmem:s22+$0xFFFFFFE0] =	vst v0;
	v0 =	vld [tilespmem:s22+$0xFFFFFFF0]  }
0x35: {  	v1 =	vld [tilespmem:s24+$0x10210];
	_ =	sdelay $0x4  }
0x36: {  	v0 =	vadd.f32 v1, v0;
	_ =	sdelay $0x1  }
0x37: {  	v0 =	vmul.f32 $5.000000000e-01, v0;
	_ =	sdelay $0x1  }
0x38: {  	[tilespmem:s22+$0xFFFFFFF0] =	vst v0;
	v0 =	vld [tilespmem:s22+$0x0]  }
0x39: {  	v1 =	vld [tilespmem:s24+$0x10220];
	_ =	sdelay $0x4  }
0x3a: {  	v0 =	vadd.f32 v1, v0;
	_ =	sdelay $0x1  }
0x3b: {  	v0 =	vmul.f32 $5.000000000e-01, v0;
	_ =	sdelay $0x1  }
0x3c: {  	[tilespmem:s22+$0x0] =	vst v0;
	v0 =	vld [tilespmem:s22+$0x10]  }
0x3d: {  	v1 =	vld [tilespmem:s24+$0x10230];
	_ =	sdelay $0x4  }
0x3e: {  	v0 =	vadd.f32 v1, v0;
	_ =	sdelay $0x1  }
0x3f: {  	v0 =	vmul.f32 $5.000000000e-01, v0;
	_ =	sdelay $0x1  }
0x40: {  	s31 =	simm.s32 $0x0;
	[tilespmem:s23+$0x10] =	vst v0  }
0x41: {  	[hbm4b:s6+s31] =	stream.linear.scatter [tilespmem:s18], [sflag:$0x2], $0x10000, $0x38;
	[tilespmem:$0x11200] =	vst v63  }
0x42: {  	_ =	swait.ge [sflag:s17], $0x10000  }
0x43: {  	[sflag:s17] =	ssyncset.done $0x0  }
0x44: {  	[sflag:s17] =	ssyncadd.s32 $0xFFFF0000  }
0x45: {  	[tilespmem:s31], [sflag:$0x2] =	stream.linear.gather [hbm4b:s7+s31], $0x200, $0x38;
	[tilespmem:$0x11200] =	vst v63  }
0x46: {  	_ =	swait.ge [sflag:s17], $0x200  }
0x47: {  	[sflag:s17] =	ssyncset.done $0x0  }
0x48: {  	[sflag:s17] =	ssyncadd.s32 $0xFFFFFE00  }
0x49: {  	[tilespmem:s18], [sflag:$0x1] =	stream.indirect.gather [hbm4b:s3+s18], $0x80, s31, s18, $0xb8;
	[tilespmem:$0x11200] =	vst v63  }
0x4a: {  	_ =	swait.ge [sflag:s19], $0x10000  }
0x4b: {  	[sflag:s19] =	ssyncset.done $0x0  }
0x4c: {  	[sflag:s19] =	ssyncadd.s32 $0xFFFF0000  }
0x4d: {  	[tilespmem:s20], [sflag:$0x2] =	stream.linear.gather [hbm4b:s8+s31], $0x1000, $0x38;
	[tilespmem:$0x11200] =	vst v63  }
0x4e: {  	_ =	swait.ge [sflag:s17], $0x1000  }
0x4f: {  	[sflag:s17] =	ssyncset.done $0x0  }
0x50: {  	s22 =	simm.s32 $0x220;
	[sflag:s17] =	ssyncadd.s32 $0xFFFFF000  }
0x51: {  	s25 =	simm.s32 $0x8;
	s24 =	sand.u32 $0xF80, s31;
	s23 =	simm.s32 $0x220;
	v0 =	vld [tilespmem:s22+$0xFFFFFFE0]  }
.LBB2_4:
0x52: {  	p0 =	sne.s32 s25, $0xFF8;
	v1 =	vld [tilespmem:s24+$0x10200];
	_ =	sdelay $0x4  }
0x53: {  	v0 =	vadd.f32 v1, v0;
	_ =	sdelay $0x1  }
0x54: {  	v0 =	vmul.f32 $5.000000000e-01, v0;
	_ =	sdelay $0x1  }
0x55: {  	[tilespmem:s22+$0xFFFFFFE0] =	vst v0;
	v0 =	vld [tilespmem:s22+$0xFFFFFFF0]  }
0x56: {  	v1 =	vld [tilespmem:s24+$0x10210];
	_ =	sdelay $0x4  }
0x57: {  	v0 =	vadd.f32 v1, v0;
	_ =	sdelay $0x1  }
0x58: {  	v0 =	vmul.f32 $5.000000000e-01, v0;
	_ =	sdelay $0x1  }
0x59: {  	[tilespmem:s22+$0xFFFFFFF0] =	vst v0;
	v0 =	vld [tilespmem:s22+$0x0]  }
0x5a: {  	v1 =	vld [tilespmem:s24+$0x10220];
	_ =	sdelay $0x4  }
0x5b: {  	v0 =	vadd.f32 v1, v0;
	_ =	sdelay $0x1  }
0x5c: {  	v0 =	vmul.f32 $5.000000000e-01, v0;
	_ =	sdelay $0x1  }
0x5d: {  	[tilespmem:s22+$0x0] =	vst v0;
	v0 =	vld [tilespmem:s22+$0x10]  }
0x5e: {  	v1 =	vld [tilespmem:s24+$0x10230];
	_ =	sdelay $0x4  }
.Ltmp1:
0x5f: {  	v0 =	vadd.f32 v1, v0;
	(pc) =	sbr.rel @p0 .LBB2_4-.Ltmp1, $4  }
0x60: {  	_ = 	snop  }
0x61: {  	v1 =	vmul.f32 $5.000000000e-01, v0  }
0x62: {  	s22 =	sadd.s32 $0x80, s22  }
0x63: {  	s24 =	sand.u32 $0xF80, s25;
	s25 =	sadd.s32 $0x8, s25;
	v0 =	vld [tilespmem:s22+$0xFFFFFFE0];
	[tilespmem:s23+$0x10] =	vst v1;
	s23 =	smov.u32 s22  }
0x64: {  	v1 =	vld [tilespmem:s24+$0x10200];
	_ =	sdelay $0x4  }
0x65: {  	v0 =	vadd.f32 v1, v0;
	_ =	sdelay $0x1  }
0x66: {  	v0 =	vmul.f32 $5.000000000e-01, v0;
	_ =	sdelay $0x1  }
0x67: {  	[tilespmem:s22+$0xFFFFFFE0] =	vst v0;
	v0 =	vld [tilespmem:s22+$0xFFFFFFF0]  }
0x68: {  	v1 =	vld [tilespmem:s24+$0x10210];
	_ =	sdelay $0x4  }
0x69: {  	v0 =	vadd.f32 v1, v0;
	_ =	sdelay $0x1  }
0x6a: {  	v0 =	vmul.f32 $5.000000000e-01, v0;
	_ =	sdelay $0x1  }
0x6b: {  	[tilespmem:s22+$0xFFFFFFF0] =	vst v0;
	v0 =	vld [tilespmem:s22+$0x0]  }
0x6c: {  	v1 =	vld [tilespmem:s24+$0x10220];
	_ =	sdelay $0x4  }
0x6d: {  	v0 =	vadd.f32 v1, v0;
	_ =	sdelay $0x1  }
0x6e: {  	v0 =	vmul.f32 $5.000000000e-01, v0;
	_ =	sdelay $0x1  }
0x6f: {  	[tilespmem:s22+$0x0] =	vst v0;
	v0 =	vld [tilespmem:s22+$0x10]  }
0x70: {  	v1 =	vld [tilespmem:s24+$0x10230];
	_ =	sdelay $0x4  }
0x71: {  	v0 =	vadd.f32 v1, v0;
	_ =	sdelay $0x1  }
0x72: {  	v0 =	vmul.f32 $5.000000000e-01, v0;
	_ =	sdelay $0x1  }
0x73: {  	s31 =	simm.s32 $0x0;
	[tilespmem:s23+$0x10] =	vst v0  }
0x74: {  	[hbm4b:s9+s31] =	stream.linear.scatter [tilespmem:s18], [sflag:$0x2], $0x10000, $0x38;
	[tilespmem:$0x11200] =	vst v63  }
0x75: {  	_ =	swait.ge [sflag:s17], $0x10000  }
0x76: {  	[sflag:s17] =	ssyncset.done $0x0  }
0x77: {  	[sflag:s17] =	ssyncadd.s32 $0xFFFF0000  }
0x78: {  	[tilespmem:s31], [sflag:$0x2] =	stream.linear.gather [hbm4b:s10+s31], $0x200, $0x38;
	[tilespmem:$0x11200] =	vst v63  }
0x79: {  	_ =	swait.ge [sflag:s17], $0x200  }
0x7a: {  	[sflag:s17] =	ssyncset.done $0x0  }
0x7b: {  	[sflag:s17] =	ssyncadd.s32 $0xFFFFFE00  }
0x7c: {  	[tilespmem:s18], [sflag:$0x1] =	stream.indirect.gather [hbm4b:s3+s18], $0x80, s31, s18, $0xb8;
	[tilespmem:$0x11200] =	vst v63  }
0x7d: {  	_ =	swait.ge [sflag:s19], $0x10000  }
0x7e: {  	[sflag:s19] =	ssyncset.done $0x0  }
0x7f: {  	[sflag:s19] =	ssyncadd.s32 $0xFFFF0000  }
0x80: {  	[tilespmem:s20], [sflag:$0x2] =	stream.linear.gather [hbm4b:s11+s31], $0x1000, $0x38;
	[tilespmem:$0x11200] =	vst v63  }
0x81: {  	_ =	swait.ge [sflag:s17], $0x1000  }
0x82: {  	[sflag:s17] =	ssyncset.done $0x0  }
0x83: {  	s22 =	simm.s32 $0x220;
	[sflag:s17] =	ssyncadd.s32 $0xFFFFF000  }
0x84: {  	s25 =	simm.s32 $0x8;
	s24 =	sand.u32 $0xF80, s31;
	s23 =	simm.s32 $0x220;
	v0 =	vld [tilespmem:s22+$0xFFFFFFE0]  }
.LBB2_6:
0x85: {  	p0 =	sne.s32 s25, $0xFF8;
	v1 =	vld [tilespmem:s24+$0x10200];
	_ =	sdelay $0x4  }
0x86: {  	v0 =	vadd.f32 v1, v0;
	_ =	sdelay $0x1  }
0x87: {  	v0 =	vmul.f32 $5.000000000e-01, v0;
	_ =	sdelay $0x1  }
0x88: {  	[tilespmem:s22+$0xFFFFFFE0] =	vst v0;
	v0 =	vld [tilespmem:s22+$0xFFFFFFF0]  }
0x89: {  	v1 =	vld [tilespmem:s24+$0x10210];
	_ =	sdelay $0x4  }
0x8a: {  	v0 =	vadd.f32 v1, v0;
	_ =	sdelay $0x1  }
0x8b: {  	v0 =	vmul.f32 $5.000000000e-01, v0;
	_ =	sdelay $0x1  }
0x8c: {  	[tilespmem:s22+$0xFFFFFFF0] =	vst v0;
	v0 =	vld [tilespmem:s22+$0x0]  }
0x8d: {  	v1 =	vld [tilespmem:s24+$0x10220];
	_ =	sdelay $0x4  }
0x8e: {  	v0 =	vadd.f32 v1, v0;
	_ =	sdelay $0x1  }
0x8f: {  	v0 =	vmul.f32 $5.000000000e-01, v0;
	_ =	sdelay $0x1  }
0x90: {  	[tilespmem:s22+$0x0] =	vst v0;
	v0 =	vld [tilespmem:s22+$0x10]  }
0x91: {  	v1 =	vld [tilespmem:s24+$0x10230];
	_ =	sdelay $0x4  }
.Ltmp2:
0x92: {  	v0 =	vadd.f32 v1, v0;
	(pc) =	sbr.rel @p0 .LBB2_6-.Ltmp2, $4  }
0x93: {  	_ = 	snop  }
0x94: {  	v1 =	vmul.f32 $5.000000000e-01, v0  }
0x95: {  	s22 =	sadd.s32 $0x80, s22  }
0x96: {  	s24 =	sand.u32 $0xF80, s25;
	s25 =	sadd.s32 $0x8, s25;
	v0 =	vld [tilespmem:s22+$0xFFFFFFE0];
	[tilespmem:s23+$0x10] =	vst v1;
	s23 =	smov.u32 s22  }
0x97: {  	v1 =	vld [tilespmem:s24+$0x10200];
	_ =	sdelay $0x4  }
0x98: {  	v0 =	vadd.f32 v1, v0;
	_ =	sdelay $0x1  }
0x99: {  	v0 =	vmul.f32 $5.000000000e-01, v0;
	_ =	sdelay $0x1  }
0x9a: {  	[tilespmem:s22+$0xFFFFFFE0] =	vst v0;
	v0 =	vld [tilespmem:s22+$0xFFFFFFF0]  }
0x9b: {  	v1 =	vld [tilespmem:s24+$0x10210];
	_ =	sdelay $0x4  }
0x9c: {  	v0 =	vadd.f32 v1, v0;
	_ =	sdelay $0x1  }
0x9d: {  	v0 =	vmul.f32 $5.000000000e-01, v0;
	_ =	sdelay $0x1  }
0x9e: {  	[tilespmem:s22+$0xFFFFFFF0] =	vst v0;
	v0 =	vld [tilespmem:s22+$0x0]  }
0x9f: {  	v1 =	vld [tilespmem:s24+$0x10220];
	_ =	sdelay $0x4  }
0xa0: {  	v0 =	vadd.f32 v1, v0;
	_ =	sdelay $0x1  }
0xa1: {  	v0 =	vmul.f32 $5.000000000e-01, v0;
	_ =	sdelay $0x1  }
0xa2: {  	[tilespmem:s22+$0x0] =	vst v0;
	v0 =	vld [tilespmem:s22+$0x10]  }
0xa3: {  	v1 =	vld [tilespmem:s24+$0x10230];
	_ =	sdelay $0x4  }
0xa4: {  	v0 =	vadd.f32 v1, v0;
	_ =	sdelay $0x1  }
0xa5: {  	v0 =	vmul.f32 $5.000000000e-01, v0;
	_ =	sdelay $0x1  }
0xa6: {  	s31 =	simm.s32 $0x0;
	[tilespmem:s23+$0x10] =	vst v0  }
0xa7: {  	[hbm4b:s12+s31] =	stream.linear.scatter [tilespmem:s18], [sflag:$0x2], $0x10000, $0x38;
	[tilespmem:$0x11200] =	vst v63  }
0xa8: {  	_ =	swait.ge [sflag:s17], $0x10000  }
0xa9: {  	[sflag:s17] =	ssyncset.done $0x0  }
0xaa: {  	[sflag:s17] =	ssyncadd.s32 $0xFFFF0000  }
0xab: {  	[tilespmem:s31], [sflag:$0x2] =	stream.linear.gather [hbm4b:s13+s31], $0x200, $0x38;
	[tilespmem:$0x11200] =	vst v63  }
0xac: {  	_ =	swait.ge [sflag:s17], $0x200  }
0xad: {  	[sflag:s17] =	ssyncset.done $0x0  }
0xae: {  	[sflag:s17] =	ssyncadd.s32 $0xFFFFFE00  }
0xaf: {  	[tilespmem:s18], [sflag:$0x1] =	stream.indirect.gather [hbm4b:s3+s18], $0x80, s31, s18, $0xb8;
	[tilespmem:$0x11200] =	vst v63  }
0xb0: {  	_ =	swait.ge [sflag:s19], $0x10000  }
0xb1: {  	[sflag:s19] =	ssyncset.done $0x0  }
0xb2: {  	[sflag:s19] =	ssyncadd.s32 $0xFFFF0000  }
0xb3: {  	[tilespmem:s20], [sflag:$0x2] =	stream.linear.gather [hbm4b:s14+s31], $0x1000, $0x38;
	[tilespmem:$0x11200] =	vst v63  }
0xb4: {  	_ =	swait.ge [sflag:s17], $0x1000  }
0xb5: {  	[sflag:s17] =	ssyncset.done $0x0  }
0xb6: {  	s22 =	simm.s32 $0x220;
	[sflag:s17] =	ssyncadd.s32 $0xFFFFF000  }
0xb7: {  	s25 =	simm.s32 $0x8;
	s24 =	sand.u32 $0xF80, s31;
	s23 =	simm.s32 $0x220;
	v0 =	vld [tilespmem:s22+$0xFFFFFFE0]  }
.LBB2_8:
0xb8: {  	p0 =	sne.s32 s25, $0xFF8;
	v1 =	vld [tilespmem:s24+$0x10200];
	_ =	sdelay $0x4  }
0xb9: {  	v0 =	vadd.f32 v1, v0;
	_ =	sdelay $0x1  }
0xba: {  	v0 =	vmul.f32 $5.000000000e-01, v0;
	_ =	sdelay $0x1  }
0xbb: {  	[tilespmem:s22+$0xFFFFFFE0] =	vst v0;
	v0 =	vld [tilespmem:s22+$0xFFFFFFF0]  }
0xbc: {  	v1 =	vld [tilespmem:s24+$0x10210];
	_ =	sdelay $0x4  }
0xbd: {  	v0 =	vadd.f32 v1, v0;
	_ =	sdelay $0x1  }
0xbe: {  	v0 =	vmul.f32 $5.000000000e-01, v0;
	_ =	sdelay $0x1  }
0xbf: {  	[tilespmem:s22+$0xFFFFFFF0] =	vst v0;
	v0 =	vld [tilespmem:s22+$0x0]  }
0xc0: {  	v1 =	vld [tilespmem:s24+$0x10220];
	_ =	sdelay $0x4  }
0xc1: {  	v0 =	vadd.f32 v1, v0;
	_ =	sdelay $0x1  }
0xc2: {  	v0 =	vmul.f32 $5.000000000e-01, v0;
	_ =	sdelay $0x1  }
0xc3: {  	[tilespmem:s22+$0x0] =	vst v0;
	v0 =	vld [tilespmem:s22+$0x10]  }
0xc4: {  	v1 =	vld [tilespmem:s24+$0x10230];
	_ =	sdelay $0x4  }
.Ltmp3:
0xc5: {  	v0 =	vadd.f32 v1, v0;
	(pc) =	sbr.rel @p0 .LBB2_8-.Ltmp3, $4  }
0xc6: {  	_ = 	snop  }
0xc7: {  	v1 =	vmul.f32 $5.000000000e-01, v0  }
0xc8: {  	s22 =	sadd.s32 $0x80, s22  }
0xc9: {  	s24 =	sand.u32 $0xF80, s25;
	s25 =	sadd.s32 $0x8, s25;
	v0 =	vld [tilespmem:s22+$0xFFFFFFE0];
	[tilespmem:s23+$0x10] =	vst v1;
	s23 =	smov.u32 s22  }
0xca: {  	v1 =	vld [tilespmem:s24+$0x10200];
	_ =	sdelay $0x4  }
0xcb: {  	v0 =	vadd.f32 v1, v0;
	_ =	sdelay $0x1  }
0xcc: {  	v0 =	vmul.f32 $5.000000000e-01, v0;
	_ =	sdelay $0x1  }
0xcd: {  	v58 =	vld [tilespmem:s22+$0xFFFFFFF0];
	[tilespmem:s22+$0xFFFFFFE0] =	vst v0  }
0xce: {  	v59 =	vld [tilespmem:s24+$0x10210];
	_ =	sdelay $0x4  }
0xcf: {  	v0 =	vadd.f32 v59, v58;
	_ =	sdelay $0x1  }
0xd0: {  	v0 =	vmul.f32 $5.000000000e-01, v0;
	_ =	sdelay $0x1  }
0xd1: {  	v60 =	vld [tilespmem:s22+$0x0];
	[tilespmem:s22+$0xFFFFFFF0] =	vst v0  }
0xd2: {  	v61 =	vld [tilespmem:s24+$0x10220];
	_ =	sdelay $0x4  }
0xd3: {  	v0 =	vadd.f32 v61, v60;
	_ =	sdelay $0x1  }
0xd4: {  	v0 =	vmul.f32 $5.000000000e-01, v0;
	_ =	sdelay $0x1  }
0xd5: {  	v62 =	vld [tilespmem:s22+$0x10];
	[tilespmem:s22+$0x0] =	vst v0  }
0xd6: {  	v63 =	vld [tilespmem:s24+$0x10230];
	_ =	sdelay $0x4  }
0xd7: {  	v0 =	vadd.f32 v63, v62;
	_ =	sdelay $0x1  }
0xd8: {  	s21 =	sadd.s32 $0x1, s21;
	v0 =	vmul.f32 $5.000000000e-01, v0  }
0xd9: {  	p0 =	sne.s32 s21, s16  }
.Ltmp4:
0xda: {  	[tilespmem:s23+$0x10] =	vst v0;
	(pc) =	sbr.rel @p0 .LBB2_1-.Ltmp4, $4  }
0xdb: {  	[hbm4b:s15+s2] =	stream.linear.scatter [tilespmem:s18], [sflag:$0x2], $0x10000, $0x38;
	[tilespmem:$0x11200] =	vst v63  }
0xdc: {  	_ =	swait.ge [sflag:s17], $0x10000  }
0xdd: {  	[sflag:s17] =	ssyncset.done $0x0  }
0xde: {  	[sflag:s17] =	ssyncadd.s32 $0xFFFF0000  }
0xdf: {  	_ =	sfence.sel $0x180000  }
0xe0: {  	[bflag:$0x0] =	sbarrier.arrive $0xFFFF  }
0xe1: {  	p0 =	sne.s32 s1, $0x0;
	_ =	strace $0x90000047  }
0xe2: {  	s0 =	sadd.s32 @!p0 $0x100000, s0;
	[bflag:$0x2] =	sbarrier.arrive $0xFFFF  }
0xe3: {  	[sflag:s0] =	ssyncadd.tile.s32 @!p0 $0x1;
	_ =	shalt  }
.Lfunc_end2:
_tile_overlayer_lowered:
.L_overlay_start_2:
0xe4: {  	(tag) =	ssettag $0x2  }
0xe5: {  	s0 =	rddreg [dreg:$0x0];
	s2 =	stileid.u32  }
0xe6: {  	s1 =	rddreg [dreg:$0x1];
	p0 =	sne.s32 s2, $0x0  }
0xe7: {  	s3 =	rddreg [dreg:$0x2];
	[bflag:$0x3] =	sbarrier.arrive $0xFFFF;
	s2 =	simm.s32 @!p0 $0x1C02  }
0xe8: {  	[timem:s3], [sflag:s2] =	dma.local @!p0 [hbm:s0], s1  }
0xe9: {  	s0 =	simm.s32 @!p0 $0x2  }
0xea: {  	_ =	swait.ge @!p0 [sflag:s0], s1  }
0xeb: {  	s1 =	ssub.s32 @!p0 $0x0, s1;
	[sflag:s0] =	ssyncset.done @!p0 $0x0  }
0xec: {  	[sflag:s0] =	ssyncadd.s32 @!p0 s1  }
0xed: {  	[bflag:$0x3] =	sbarrier.arrive $0xFFFF  }
0xee: {  	_ =	shalt  }

</sc_bundles>
